<compile_context>
chip_gen: v7x
topology: tpu7x:2x2x1
jax: 0.10.2.dev20260603
libtpu: 0.0.44.dev20260713+nightly
codegen_flags: <defaults>
</compile_context>

<pallas_src>
import jax
import jax.numpy as jnp
from jax import lax
from jax.experimental import pallas as pl
from jax.experimental.pallas import tpu as pltpu
from jax.experimental.pallas import tpu_sc as plsc
import numpy as np

_B, _N, _H = 4, 8192, 64
_NDELTA = 2048
_SQRT_HALF = np.float32(np.sqrt(0.5))

_NC, _NS, _L = 1, 16, 16
_NW = _NC * _NS
_T = _B * _N
_TW = _T // _NW
_WB = _N // _TW
_CH = _TW // _L


def _gelu_exact(x):
    return 0.5 * x * (1.0 + lax.erf(x * _SQRT_HALF))


def _gumbel_from_counts(idx):
    ks = (jnp.uint32(0), jnp.uint32(123), jnp.uint32(0 ^ 123 ^ 0x1BD11BDA))
    rot = ((13, 15, 26, 6), (17, 29, 16, 24))
    inj = ((1, 2, 1), (2, 0, 2), (0, 1, 3), (1, 2, 4), (2, 0, 5))
    x0 = jnp.zeros(idx.shape, jnp.uint32)
    x1 = idx + ks[1]
    for d in range(5):
        for r in rot[d % 2]:
            x0 = x0 + x1
            x1 = (lax.shift_left(x1, jnp.uint32(r))
                  | lax.shift_right_logical(x1, jnp.uint32(32 - r)))
            x1 = x0 ^ x1
        a, b, c = inj[d]
        x0 = x0 + ks[a]
        x1 = x1 + ks[b] + jnp.uint32(c)
    bits = x0 ^ x1
    fb = lax.shift_right_logical(bits, jnp.uint32(9)) | jnp.uint32(0x3F800000)
    u = lax.bitcast_convert_type(fb, jnp.float32) - 1.0
    return -jnp.log(-jnp.log(u + 1e-05) + 1e-05)


def _lut_body(w1t_ref, b1_ref, w2_ref, b2_ref, w3_ref, b3_ref,
              out_ref, g0_ref, g1_ref):
    d = (lax.broadcasted_iota(jnp.int32, (_NDELTA, 1), 0) - 999).astype(jnp.float32)
    h = _gelu_exact(d * w1t_ref[...] + b1_ref[...])
    h = _gelu_exact(
        lax.dot_general(h, w2_ref[...], (((1,), (1,)), ((), ())),
                        preferred_element_type=jnp.float32) + b2_ref[...])
    lut_t = lax.dot_general(w3_ref[...], h, (((1,), (1,)), ((), ())),
                            preferred_element_type=jnp.float32) + b3_ref[...]
    out_ref[...] = lut_t
    bi = lax.broadcasted_iota(jnp.uint32, (_B, _N), 0)
    ni = lax.broadcasted_iota(jnp.uint32, (_B, _N), 1)
    tok2 = (bi * jnp.uint32(_N) + ni) * jnp.uint32(2)
    g0_ref[...] = _gumbel_from_counts(tok2)
    g1_ref[...] = _gumbel_from_counts(tok2 + jnp.uint32(1))


_lut_call = pl.pallas_call(
    _lut_body,
    out_shape=(jax.ShapeDtypeStruct((2, _NDELTA), jnp.float32),
               jax.ShapeDtypeStruct((_B, _N), jnp.float32),
               jax.ShapeDtypeStruct((_B, _N), jnp.float32)),
)


def _gate_body(tp_hbm, tc_hbm, g0_hbm, g1_hbm, lut_hbm, gate_hbm, log_hbm,
               tp_v, tc_v, g0_v, g1_v, l0_v, l1_v, gout_v, lout_v, sem):
    w = lax.axis_index("s") * _NC + lax.axis_index("c")
    b = w // _WB
    n0 = (w % _WB) * _TW
    copies = [
        pltpu.async_copy(tp_hbm.at[b, pl.ds(n0, _TW)], tp_v, sem),
        pltpu.async_copy(tc_hbm.at[b, pl.ds(n0, _TW)], tc_v, sem),
        pltpu.async_copy(g0_hbm.at[b, pl.ds(n0, _TW)], g0_v, sem),
        pltpu.async_copy(g1_hbm.at[b, pl.ds(n0, _TW)], g1_v, sem),
        pltpu.async_copy(lut_hbm.at[0], l0_v, sem),
        pltpu.async_copy(lut_hbm.at[1], l1_v, sem),
    ]
    for c in copies:
        c.wait()

    @plsc.parallel_loop(0, _TW, step=_L)
    def _(i):
        s = pl.ds(i, _L)
        idx = tc_v[s] - tp_v[s] + 999
        l0 = plsc.load_gather(l0_v, [idx])
        l1 = plsc.load_gather(l1_v, [idx])
        z0 = l0 + g0_v[s]
        z1 = l1 + g1_v[s]
        gate1 = jnp.where(z1 > z0, jnp.float32(1.0), jnp.float32(0.0))
        gout_v[0, s] = 1.0 - gate1
        gout_v[1, s] = gate1
        lout_v[0, s] = l0
        lout_v[1, s] = l1

    o0 = pltpu.async_copy(gout_v, gate_hbm.at[b, :, pl.ds(n0, _TW)], sem)
    o1 = pltpu.async_copy(lout_v, log_hbm.at[b, :, pl.ds(n0, _TW)], sem)
    o0.wait()
    o1.wait()


def _make_gate_call():
    return pl.kernel(
        _gate_body,
        out_type=(jax.ShapeDtypeStruct((_B, 2, _N), jnp.float32),
                  jax.ShapeDtypeStruct((_B, 2, _N), jnp.float32)),
        mesh=plsc.VectorSubcoreMesh(core_axis_name="c", subcore_axis_name="s",
                                    num_cores=_NC, num_subcores=_NS),
        scratch_types=[
            pltpu.VMEM((_TW,), jnp.int32),
            pltpu.VMEM((_TW,), jnp.int32),
            pltpu.VMEM((_TW,), jnp.float32),
            pltpu.VMEM((_TW,), jnp.float32),
            pltpu.VMEM((_NDELTA,), jnp.float32),
            pltpu.VMEM((_NDELTA,), jnp.float32),
            pltpu.VMEM((2, _TW), jnp.float32),
            pltpu.VMEM((2, _TW), jnp.float32),
            pltpu.SemaphoreType.DMA,
        ],
        compiler_params=pltpu.CompilerParams(needs_layout_passes=False),
    )


def kernel(x_past, x_curr, t_past, t_curr, W1, b1, W2, b2, W3, b3):
    lut, g0, g1 = _lut_call(W1.T, b1.reshape(1, _H), W2, b2.reshape(1, _H),
                            W3, b3.reshape(2, 1))
    gate_t, log_t = _make_gate_call()(t_past, t_curr, g0, g1, lut)
    return gate_t.transpose(0, 2, 1), log_t.transpose(0, 2, 1)

# --- scband reference (transcript-rebuilt; emitter-appended) ---
"""Pipeline reference for scband-cache-gate-simple-25237227831303 (READ-ONLY COPY).

The authoritative reference and input builder live on the scoring server;
editing this copy changes nothing except your own understanding.
"""

import jax, jax.numpy as jnp
import numpy as np

B, N, D = 4, 8192, 1024
H = 64


def setup_inputs(seed: int = 0) -> dict:
    key = jax.random.key(seed)
    ks = jax.random.split(key, 10)
    x_past = jax.random.normal(ks[0], (B, N, D), dtype=jnp.float32)
    x_curr = jax.random.normal(ks[1], (B, N, D), dtype=jnp.float32)
    t_past = jax.random.randint(ks[2], (B, N), 0, 1000, dtype=jnp.int32)
    t_curr = jax.random.randint(ks[3], (B, N), 0, 1000, dtype=jnp.int32)
    W1 = jax.random.normal(ks[4], (H, 1), dtype=jnp.float32) * 0.1
    b1 = jnp.zeros((H,), dtype=jnp.float32)
    W2 = jax.random.normal(ks[5], (H, H), dtype=jnp.float32) * 0.05
    b2 = jnp.zeros((H,), dtype=jnp.float32)
    W3 = jax.random.normal(ks[6], (2, H), dtype=jnp.float32) * 0.1
    b3 = jnp.zeros((2,), dtype=jnp.float32)
    return {"x_past": x_past, "x_curr": x_curr, "t_past": t_past, "t_curr": t_curr,
            "W1": W1, "b1": b1, "W2": W2, "b2": b2, "W3": W3, "b3": b3}


def _gumbel_softmax_hard(logits, temperature=1.0, eps=1e-05):
    gkey = jax.random.key(123)
    U = jax.random.uniform(gkey, logits.shape, dtype=logits.dtype)
    g = -jnp.log(-jnp.log(U + eps) + eps)
    y = jax.nn.softmax((logits + g) / temperature, axis=-1)
    ind = jnp.argmax(y, axis=-1)
    y_hard = jax.nn.one_hot(ind, y.shape[-1], dtype=y.dtype)
    # straight-through estimator
    return jax.lax.stop_gradient(y_hard - y) + y


def reference(x_past, x_curr, t_past, t_curr, W1, b1, W2, b2, W3, b3):
    delta = (t_curr.astype(x_curr.dtype) - t_past.astype(x_curr.dtype))[..., None]  # [B, N, 1]
    h = jax.nn.gelu(delta @ W1.T + b1, approximate=False)
    h = jax.nn.gelu(h @ W2.T + b2, approximate=False)
    logits = h @ W3.T + b3  # [B, N, 2]
    gate = _gumbel_softmax_hard(logits, temperature=1.0)
    return (gate, logits)

if __name__ == "__main__":
    import jax
    _d = setup_inputs()
    print(jax.jit(kernel)(*tuple(_d.values())))

</pallas_src>

<mosaic_0001>
#map = affine_map<(d0, d1) -> (0, 0)>
#map1 = affine_map<(d0, d1) -> (0, 0, 0)>
module attributes {stable_mosaic.version = 14 : i64} {
  func.func @_gate_body(%arg0: i32, %arg1: i32, %arg2: memref<4x8192xi32, #tpu.memory_space<hbm>>, %arg3: memref<4x8192xi32, #tpu.memory_space<hbm>>, %arg4: memref<4x8192xf32, #tpu.memory_space<hbm>>, %arg5: memref<4x8192xf32, #tpu.memory_space<hbm>>, %arg6: memref<2x2048xf32, #tpu.memory_space<hbm>>, %arg7: memref<4x2x8192xf32, #tpu.memory_space<hbm>>, %arg8: memref<4x2x8192xf32, #tpu.memory_space<hbm>>, %arg9: memref<2048xi32, #tpu.memory_space<vmem>>, %arg10: memref<2048xi32, #tpu.memory_space<vmem>>, %arg11: memref<2048xf32, #tpu.memory_space<vmem>>, %arg12: memref<2048xf32, #tpu.memory_space<vmem>>, %arg13: memref<2048xf32, #tpu.memory_space<vmem>>, %arg14: memref<2048xf32, #tpu.memory_space<vmem>>, %arg15: memref<2x2048xf32, #tpu.memory_space<vmem>>, %arg16: memref<2x2048xf32, #tpu.memory_space<vmem>>, %arg17: memref<!tpu.dma_semaphore, #tpu.memory_space<semaphore_mem>>) attributes {dimension_semantics = [#tpu.dimension_semantics<core_parallel>, #tpu.dimension_semantics<subcore_parallel>], iteration_bounds = array<i64: 1, 16>, scalar_prefetch = 0 : i64, scratch_operands = 9 : i64, tpu.core_type = #tpu.core_type<sc_vector_subcore>, window_params = [{transform_indices = #map}, {transform_indices = #map}, {transform_indices = #map}, {transform_indices = #map}, {transform_indices = #map}, {transform_indices = #map1}, {transform_indices = #map1}]} {
    %mul3A = arith.constant 1 : i32
    %mul3A_0 = arith.muli %arg1, %mul3A : i32
    %add3A = arith.addi %mul3A_0, %arg0 : i32
    %jit3A = arith.constant 4 : i32
    %div3A = arith.divsi %add3A, %jit3A : i32
    %sign3A = arith.constant 0 : i32
    %sign3A_1 = arith.cmpi sgt, %add3A, %sign3A : i32
    %sign3A_2 = arith.extui %sign3A_1 : i1 to i32
    %sign3A_3 = arith.constant 0 : i32
    %sign3A_4 = arith.cmpi slt, %add3A, %sign3A_3 : i32
    %sign3A_5 = arith.extui %sign3A_4 : i1 to i32
    %sign3A_6 = arith.subi %sign3A_2, %sign3A_5 : i32
    %sign3A_7 = arith.constant 0 : i32
    %sign3A_8 = arith.cmpi sgt, %jit3A, %sign3A_7 : i32
    %sign3A_9 = arith.extui %sign3A_8 : i1 to i32
    %sign3A_10 = arith.constant 0 : i32
    %sign3A_11 = arith.cmpi slt, %jit3A, %sign3A_10 : i32
    %sign3A_12 = arith.extui %sign3A_11 : i1 to i32
    %sign3A_13 = arith.subi %sign3A_9, %sign3A_12 : i32
    %ne3A = arith.cmpi ne, %sign3A_6, %sign3A_13 : i32
    %rem3A = arith.remsi %add3A, %jit3A : i32
    %ne3A_14 = arith.constant 0 : i32
    %ne3A_15 = arith.cmpi ne, %rem3A, %ne3A_14 : i32
    %and3A = arith.andi %ne3A, %ne3A_15 : i1
    %sub3A = arith.constant 1 : i32
    %sub3A_16 = arith.subi %div3A, %sub3A : i32
    %select_n3A = arith.select %and3A, %sub3A_16, %div3A : i32
    %jit3A_17 = arith.constant 4 : i32
    %eq3A = arith.constant 0 : i32
    %eq3A_18 = arith.cmpi eq, %jit3A_17, %eq3A : i32
    %jit3A_19 = arith.constant 1 : i32
    %select_n3A_20 = arith.select %eq3A_18, %jit3A_19, %jit3A_17 : i32
    %rem3A_21 = arith.remsi %add3A, %select_n3A_20 : i32
    %ne3A_22 = arith.constant 0 : i32
    %ne3A_23 = arith.cmpi ne, %rem3A_21, %ne3A_22 : i32
    %lt3A = arith.constant 0 : i32
    %lt3A_24 = arith.cmpi slt, %rem3A_21, %lt3A : i32
    %lt3A_25 = arith.constant 0 : i32
    %lt3A_26 = arith.cmpi slt, %select_n3A_20, %lt3A_25 : i32
    %ne3A_27 = arith.xori %lt3A_24, %lt3A_26 : i1
    %and3A_28 = arith.andi %ne3A_27, %ne3A_23 : i1
    %add3A_29 = arith.addi %rem3A_21, %select_n3A_20 : i32
    %select_n3A_30 = arith.select %and3A_28, %add3A_29, %rem3A_21 : i32
    %mul3A_31 = arith.constant 2048 : i32
    %mul3A_32 = arith.muli %select_n3A_30, %mul3A_31 : i32
    %dma_start3A = tpu.memref_slice %arg2[%select_n3A, %mul3A_32] : memref<4x8192xi32, #tpu.memory_space<hbm>> -> memref<1x2048xi32, #tpu.memory_space<hbm>>
    %dma_start3A_33 = tpu.memref_squeeze %dma_start3A : memref<1x2048xi32, #tpu.memory_space<hbm>> -> memref<2048xi32, #tpu.memory_space<hbm>>
    %dma_start3A_34 = tpu.memref_slice %arg2[%select_n3A, %mul3A_32] : memref<4x8192xi32, #tpu.memory_space<hbm>> -> memref<1x2048xi32, #tpu.memory_space<hbm>>
    %dma_start3A_35 = tpu.memref_squeeze %dma_start3A_34 : memref<1x2048xi32, #tpu.memory_space<hbm>> -> memref<2048xi32, #tpu.memory_space<hbm>>
    tpu.enqueue_dma source(%dma_start3A_35 : memref<2048xi32, #tpu.memory_space<hbm>>) target(%arg9 : memref<2048xi32, #tpu.memory_space<vmem>>) target_semaphore(%arg17 : memref<!tpu.dma_semaphore, #tpu.memory_space<semaphore_mem>>)
    %dma_start3A_36 = tpu.memref_slice %arg3[%select_n3A, %mul3A_32] : memref<4x8192xi32, #tpu.memory_space<hbm>> -> memref<1x2048xi32, #tpu.memory_space<hbm>>
    %dma_start3A_37 = tpu.memref_squeeze %dma_start3A_36 : memref<1x2048xi32, #tpu.memory_space<hbm>> -> memref<2048xi32, #tpu.memory_space<hbm>>
    %dma_start3A_38 = tpu.memref_slice %arg3[%select_n3A, %mul3A_32] : memref<4x8192xi32, #tpu.memory_space<hbm>> -> memref<1x2048xi32, #tpu.memory_space<hbm>>
    %dma_start3A_39 = tpu.memref_squeeze %dma_start3A_38 : memref<1x2048xi32, #tpu.memory_space<hbm>> -> memref<2048xi32, #tpu.memory_space<hbm>>
    tpu.enqueue_dma source(%dma_start3A_39 : memref<2048xi32, #tpu.memory_space<hbm>>) target(%arg10 : memref<2048xi32, #tpu.memory_space<vmem>>) target_semaphore(%arg17 : memref<!tpu.dma_semaphore, #tpu.memory_space<semaphore_mem>>)
    %dma_start3A_40 = tpu.memref_slice %arg4[%select_n3A, %mul3A_32] : memref<4x8192xf32, #tpu.memory_space<hbm>> -> memref<1x2048xf32, #tpu.memory_space<hbm>>
    %dma_start3A_41 = tpu.memref_squeeze %dma_start3A_40 : memref<1x2048xf32, #tpu.memory_space<hbm>> -> memref<2048xf32, #tpu.memory_space<hbm>>
    %dma_start3A_42 = tpu.memref_slice %arg4[%select_n3A, %mul3A_32] : memref<4x8192xf32, #tpu.memory_space<hbm>> -> memref<1x2048xf32, #tpu.memory_space<hbm>>
    %dma_start3A_43 = tpu.memref_squeeze %dma_start3A_42 : memref<1x2048xf32, #tpu.memory_space<hbm>> -> memref<2048xf32, #tpu.memory_space<hbm>>
    tpu.enqueue_dma source(%dma_start3A_43 : memref<2048xf32, #tpu.memory_space<hbm>>) target(%arg11 : memref<2048xf32, #tpu.memory_space<vmem>>) target_semaphore(%arg17 : memref<!tpu.dma_semaphore, #tpu.memory_space<semaphore_mem>>)
    %dma_start3A_44 = tpu.memref_slice %arg5[%select_n3A, %mul3A_32] : memref<4x8192xf32, #tpu.memory_space<hbm>> -> memref<1x2048xf32, #tpu.memory_space<hbm>>
    %dma_start3A_45 = tpu.memref_squeeze %dma_start3A_44 : memref<1x2048xf32, #tpu.memory_space<hbm>> -> memref<2048xf32, #tpu.memory_space<hbm>>
    %dma_start3A_46 = tpu.memref_slice %arg5[%select_n3A, %mul3A_32] : memref<4x8192xf32, #tpu.memory_space<hbm>> -> memref<1x2048xf32, #tpu.memory_space<hbm>>
    %dma_start3A_47 = tpu.memref_squeeze %dma_start3A_46 : memref<1x2048xf32, #tpu.memory_space<hbm>> -> memref<2048xf32, #tpu.memory_space<hbm>>
    tpu.enqueue_dma source(%dma_start3A_47 : memref<2048xf32, #tpu.memory_space<hbm>>) target(%arg12 : memref<2048xf32, #tpu.memory_space<vmem>>) target_semaphore(%arg17 : memref<!tpu.dma_semaphore, #tpu.memory_space<semaphore_mem>>)
    %dma_start3A_48 = arith.constant 0 : i32
    %dma_start3A_49 = arith.constant 0 : i32
    %dma_start3A_50 = tpu.memref_slice %arg6[%dma_start3A_48, %dma_start3A_49] : memref<2x2048xf32, #tpu.memory_space<hbm>> -> memref<1x2048xf32, #tpu.memory_space<hbm>>
    %dma_start3A_51 = tpu.memref_squeeze %dma_start3A_50 : memref<1x2048xf32, #tpu.memory_space<hbm>> -> memref<2048xf32, #tpu.memory_space<hbm>>
    %dma_start3A_52 = arith.constant 0 : i32
    %dma_start3A_53 = tpu.memref_slice %arg6[%dma_start3A_48, %dma_start3A_52] : memref<2x2048xf32, #tpu.memory_space<hbm>> -> memref<1x2048xf32, #tpu.memory_space<hbm>>
    %dma_start3A_54 = tpu.memref_squeeze %dma_start3A_53 : memref<1x2048xf32, #tpu.memory_space<hbm>> -> memref<2048xf32, #tpu.memory_space<hbm>>
    tpu.enqueue_dma source(%dma_start3A_54 : memref<2048xf32, #tpu.memory_space<hbm>>) target(%arg13 : memref<2048xf32, #tpu.memory_space<vmem>>) target_semaphore(%arg17 : memref<!tpu.dma_semaphore, #tpu.memory_space<semaphore_mem>>)
    %dma_start3A_55 = arith.constant 1 : i32
    %dma_start3A_56 = arith.constant 0 : i32
    %dma_start3A_57 = tpu.memref_slice %arg6[%dma_start3A_55, %dma_start3A_56] : memref<2x2048xf32, #tpu.memory_space<hbm>> -> memref<1x2048xf32, #tpu.memory_space<hbm>>
    %dma_start3A_58 = tpu.memref_squeeze %dma_start3A_57 : memref<1x2048xf32, #tpu.memory_space<hbm>> -> memref<2048xf32, #tpu.memory_space<hbm>>
    %dma_start3A_59 = arith.constant 0 : i32
    %dma_start3A_60 = tpu.memref_slice %arg6[%dma_start3A_55, %dma_start3A_59] : memref<2x2048xf32, #tpu.memory_space<hbm>> -> memref<1x2048xf32, #tpu.memory_space<hbm>>
    %dma_start3A_61 = tpu.memref_squeeze %dma_start3A_60 : memref<1x2048xf32, #tpu.memory_space<hbm>> -> memref<2048xf32, #tpu.memory_space<hbm>>
    tpu.enqueue_dma source(%dma_start3A_61 : memref<2048xf32, #tpu.memory_space<hbm>>) target(%arg14 : memref<2048xf32, #tpu.memory_space<vmem>>) target_semaphore(%arg17 : memref<!tpu.dma_semaphore, #tpu.memory_space<semaphore_mem>>)
    %dma_wait3A = tpu.memref_slice %arg2[%select_n3A, %mul3A_32] : memref<4x8192xi32, #tpu.memory_space<hbm>> -> memref<1x2048xi32, #tpu.memory_space<hbm>>
    %dma_wait3A_62 = tpu.memref_squeeze %dma_wait3A : memref<1x2048xi32, #tpu.memory_space<hbm>> -> memref<2048xi32, #tpu.memory_space<hbm>>
    %dma_wait3A_63 = tpu.memref_slice %arg2[%select_n3A, %mul3A_32] : memref<4x8192xi32, #tpu.memory_space<hbm>> -> memref<1x2048xi32, #tpu.memory_space<hbm>>
    %dma_wait3A_64 = tpu.memref_squeeze %dma_wait3A_63 : memref<1x2048xi32, #tpu.memory_space<hbm>> -> memref<2048xi32, #tpu.memory_space<hbm>>
    tpu.wait_dma2 semaphore(%arg17 : memref<!tpu.dma_semaphore, #tpu.memory_space<semaphore_mem>>) src(%dma_wait3A_64 : memref<2048xi32, #tpu.memory_space<hbm>>) dst(%arg9 : memref<2048xi32, #tpu.memory_space<vmem>>)
    %dma_wait3A_65 = tpu.memref_slice %arg3[%select_n3A, %mul3A_32] : memref<4x8192xi32, #tpu.memory_space<hbm>> -> memref<1x2048xi32, #tpu.memory_space<hbm>>
    %dma_wait3A_66 = tpu.memref_squeeze %dma_wait3A_65 : memref<1x2048xi32, #tpu.memory_space<hbm>> -> memref<2048xi32, #tpu.memory_space<hbm>>
    %dma_wait3A_67 = tpu.memref_slice %arg3[%select_n3A, %mul3A_32] : memref<4x8192xi32, #tpu.memory_space<hbm>> -> memref<1x2048xi32, #tpu.memory_space<hbm>>
    %dma_wait3A_68 = tpu.memref_squeeze %dma_wait3A_67 : memref<1x2048xi32, #tpu.memory_space<hbm>> -> memref<2048xi32, #tpu.memory_space<hbm>>
    tpu.wait_dma2 semaphore(%arg17 : memref<!tpu.dma_semaphore, #tpu.memory_space<semaphore_mem>>) src(%dma_wait3A_68 : memref<2048xi32, #tpu.memory_space<hbm>>) dst(%arg10 : memref<2048xi32, #tpu.memory_space<vmem>>)
    %dma_wait3A_69 = tpu.memref_slice %arg4[%select_n3A, %mul3A_32] : memref<4x8192xf32, #tpu.memory_space<hbm>> -> memref<1x2048xf32, #tpu.memory_space<hbm>>
    %dma_wait3A_70 = tpu.memref_squeeze %dma_wait3A_69 : memref<1x2048xf32, #tpu.memory_space<hbm>> -> memref<2048xf32, #tpu.memory_space<hbm>>
    %dma_wait3A_71 = tpu.memref_slice %arg4[%select_n3A, %mul3A_32] : memref<4x8192xf32, #tpu.memory_space<hbm>> -> memref<1x2048xf32, #tpu.memory_space<hbm>>
    %dma_wait3A_72 = tpu.memref_squeeze %dma_wait3A_71 : memref<1x2048xf32, #tpu.memory_space<hbm>> -> memref<2048xf32, #tpu.memory_space<hbm>>
    tpu.wait_dma2 semaphore(%arg17 : memref<!tpu.dma_semaphore, #tpu.memory_space<semaphore_mem>>) src(%dma_wait3A_72 : memref<2048xf32, #tpu.memory_space<hbm>>) dst(%arg11 : memref<2048xf32, #tpu.memory_space<vmem>>)
    %dma_wait3A_73 = tpu.memref_slice %arg5[%select_n3A, %mul3A_32] : memref<4x8192xf32, #tpu.memory_space<hbm>> -> memref<1x2048xf32, #tpu.memory_space<hbm>>
    %dma_wait3A_74 = tpu.memref_squeeze %dma_wait3A_73 : memref<1x2048xf32, #tpu.memory_space<hbm>> -> memref<2048xf32, #tpu.memory_space<hbm>>
    %dma_wait3A_75 = tpu.memref_slice %arg5[%select_n3A, %mul3A_32] : memref<4x8192xf32, #tpu.memory_space<hbm>> -> memref<1x2048xf32, #tpu.memory_space<hbm>>
    %dma_wait3A_76 = tpu.memref_squeeze %dma_wait3A_75 : memref<1x2048xf32, #tpu.memory_space<hbm>> -> memref<2048xf32, #tpu.memory_space<hbm>>
    tpu.wait_dma2 semaphore(%arg17 : memref<!tpu.dma_semaphore, #tpu.memory_space<semaphore_mem>>) src(%dma_wait3A_76 : memref<2048xf32, #tpu.memory_space<hbm>>) dst(%arg12 : memref<2048xf32, #tpu.memory_space<vmem>>)
    %dma_wait3A_77 = arith.constant 0 : i32
    %dma_wait3A_78 = arith.constant 0 : i32
    %dma_wait3A_79 = tpu.memref_slice %arg6[%dma_wait3A_77, %dma_wait3A_78] : memref<2x2048xf32, #tpu.memory_space<hbm>> -> memref<1x2048xf32, #tpu.memory_space<hbm>>
    %dma_wait3A_80 = tpu.memref_squeeze %dma_wait3A_79 : memref<1x2048xf32, #tpu.memory_space<hbm>> -> memref<2048xf32, #tpu.memory_space<hbm>>
    %dma_wait3A_81 = arith.constant 0 : i32
    %dma_wait3A_82 = tpu.memref_slice %arg6[%dma_wait3A_77, %dma_wait3A_81] : memref<2x2048xf32, #tpu.memory_space<hbm>> -> memref<1x2048xf32, #tpu.memory_space<hbm>>
    %dma_wait3A_83 = tpu.memref_squeeze %dma_wait3A_82 : memref<1x2048xf32, #tpu.memory_space<hbm>> -> memref<2048xf32, #tpu.memory_space<hbm>>
    tpu.wait_dma2 semaphore(%arg17 : memref<!tpu.dma_semaphore, #tpu.memory_space<semaphore_mem>>) src(%dma_wait3A_83 : memref<2048xf32, #tpu.memory_space<hbm>>) dst(%arg13 : memref<2048xf32, #tpu.memory_space<vmem>>)
    %dma_wait3A_84 = arith.constant 1 : i32
    %dma_wait3A_85 = arith.constant 0 : i32
    %dma_wait3A_86 = tpu.memref_slice %arg6[%dma_wait3A_84, %dma_wait3A_85] : memref<2x2048xf32, #tpu.memory_space<hbm>> -> memref<1x2048xf32, #tpu.memory_space<hbm>>
    %dma_wait3A_87 = tpu.memref_squeeze %dma_wait3A_86 : memref<1x2048xf32, #tpu.memory_space<hbm>> -> memref<2048xf32, #tpu.memory_space<hbm>>
    %dma_wait3A_88 = arith.constant 0 : i32
    %dma_wait3A_89 = tpu.memref_slice %arg6[%dma_wait3A_84, %dma_wait3A_88] : memref<2x2048xf32, #tpu.memory_space<hbm>> -> memref<1x2048xf32, #tpu.memory_space<hbm>>
    %dma_wait3A_90 = tpu.memref_squeeze %dma_wait3A_89 : memref<1x2048xf32, #tpu.memory_space<hbm>> -> memref<2048xf32, #tpu.memory_space<hbm>>
    tpu.wait_dma2 semaphore(%arg17 : memref<!tpu.dma_semaphore, #tpu.memory_space<semaphore_mem>>) src(%dma_wait3A_90 : memref<2048xf32, #tpu.memory_space<hbm>>) dst(%arg14 : memref<2048xf32, #tpu.memory_space<vmem>>)
    %parallel_loop3A = arith.constant 0 : i32
    %parallel_loop3A_91 = arith.constant 2048 : i32
    %parallel_loop3A_92 = arith.constant 16 : i32
    scf.for %parallel_loop3A_117 = %parallel_loop3A to %parallel_loop3A_91 step %parallel_loop3A_92  : i32 {
      %parallel_loop3A_118 = arith.index_cast %parallel_loop3A_117 : i32 to index
      %parallel_loop3A_119 = tpu.vector_load %arg10[%parallel_loop3A_118] {strides = array<i32>} : memref<2048xi32, #tpu.memory_space<vmem>>, vector<16xi32>,
      %parallel_loop3A_120 = arith.index_cast %parallel_loop3A_117 : i32 to index
      %parallel_loop3A_121 = tpu.vector_load %arg9[%parallel_loop3A_120] {strides = array<i32>} : memref<2048xi32, #tpu.memory_space<vmem>>, vector<16xi32>,
      %parallel_loop3A_122 = arith.subi %parallel_loop3A_119, %parallel_loop3A_121 : vector<16xi32>
      %parallel_loop3A_123 = arith.constant 999 : i32
      %parallel_loop3A_124 = vector.broadcast %parallel_loop3A_123 : i32 to vector<16xi32>
      %parallel_loop3A_125 = arith.addi %parallel_loop3A_122, %parallel_loop3A_124 : vector<16xi32>
      %parallel_loop3A_126 = tpu.vector_load_idx %arg13[%parallel_loop3A_125] : memref<2048xf32, #tpu.memory_space<vmem>>[vector<16xi32>], vector<16xf32>,
      %parallel_loop3A_127 = tpu.vector_load_idx %arg14[%parallel_loop3A_125] : memref<2048xf32, #tpu.memory_space<vmem>>[vector<16xi32>], vector<16xf32>,
      %parallel_loop3A_128 = arith.index_cast %parallel_loop3A_117 : i32 to index
      %parallel_loop3A_129 = tpu.vector_load %arg11[%parallel_loop3A_128] {strides = array<i32>} : memref<2048xf32, #tpu.memory_space<vmem>>, vector<16xf32>,
      %parallel_loop3A_130 = arith.addf %parallel_loop3A_126, %parallel_loop3A_129 : vector<16xf32>
      %parallel_loop3A_131 = arith.index_cast %parallel_loop3A_117 : i32 to index
      %parallel_loop3A_132 = tpu.vector_load %arg12[%parallel_loop3A_131] {strides = array<i32>} : memref<2048xf32, #tpu.memory_space<vmem>>, vector<16xf32>,
      %parallel_loop3A_133 = arith.addf %parallel_loop3A_127, %parallel_loop3A_132 : vector<16xf32>
      %parallel_loop3A_134 = arith.cmpf ogt, %parallel_loop3A_133, %parallel_loop3A_130 : vector<16xf32>
      %parallel_loop3A_135 = arith.constant 1.000000e+00 : f32
      %parallel_loop3A_136 = arith.constant 0.000000e+00 : f32
      %parallel_loop3A_137 = vector.broadcast %parallel_loop3A_135 : f32 to vector<16xf32>
      %parallel_loop3A_138 = vector.broadcast %parallel_loop3A_136 : f32 to vector<16xf32>
      %parallel_loop3A_139 = arith.select %parallel_loop3A_134, %parallel_loop3A_137, %parallel_loop3A_138 : vector<16xi1>, vector<16xf32>
      %parallel_loop3A_140 = arith.constant 1.000000e+00 : f32
      %parallel_loop3A_141 = vector.broadcast %parallel_loop3A_140 : f32 to vector<16xf32>
      %parallel_loop3A_142 = arith.subf %parallel_loop3A_141, %parallel_loop3A_139 : vector<16xf32>
      %parallel_loop3A_143 = arith.constant 0 : i32
      %parallel_loop3A_144 = arith.index_cast %parallel_loop3A_143 : i32 to index
      %parallel_loop3A_145 = arith.index_cast %parallel_loop3A_117 : i32 to index
      %parallel_loop3A_146 = tpu.vector_load %arg15[%parallel_loop3A_144, %parallel_loop3A_145] {strides = array<i32>} : memref<2x2048xf32, #tpu.memory_space<vmem>>, vector<16xf32>,
      tpu.vector_store %arg15[%parallel_loop3A_144, %parallel_loop3A_145], %parallel_loop3A_142 {strides = array<i32>} : memref<2x2048xf32, #tpu.memory_space<vmem>>, vector<16xf32>,
      %parallel_loop3A_147 = arith.constant 1 : i32
      %parallel_loop3A_148 = arith.index_cast %parallel_loop3A_147 : i32 to index
      %parallel_loop3A_149 = arith.index_cast %parallel_loop3A_117 : i32 to index
      %parallel_loop3A_150 = tpu.vector_load %arg15[%parallel_loop3A_148, %parallel_loop3A_149] {strides = array<i32>} : memref<2x2048xf32, #tpu.memory_space<vmem>>, vector<16xf32>,
      tpu.vector_store %arg15[%parallel_loop3A_148, %parallel_loop3A_149], %parallel_loop3A_139 {strides = array<i32>} : memref<2x2048xf32, #tpu.memory_space<vmem>>, vector<16xf32>,
      %parallel_loop3A_151 = arith.constant 0 : i32
      %parallel_loop3A_152 = arith.index_cast %parallel_loop3A_151 : i32 to index
      %parallel_loop3A_153 = arith.index_cast %parallel_loop3A_117 : i32 to index
      %parallel_loop3A_154 = tpu.vector_load %arg16[%parallel_loop3A_152, %parallel_loop3A_153] {strides = array<i32>} : memref<2x2048xf32, #tpu.memory_space<vmem>>, vector<16xf32>,
      tpu.vector_store %arg16[%parallel_loop3A_152, %parallel_loop3A_153], %parallel_loop3A_126 {strides = array<i32>} : memref<2x2048xf32, #tpu.memory_space<vmem>>, vector<16xf32>,
      %parallel_loop3A_155 = arith.constant 1 : i32
      %parallel_loop3A_156 = arith.index_cast %parallel_loop3A_155 : i32 to index
      %parallel_loop3A_157 = arith.index_cast %parallel_loop3A_117 : i32 to index
      %parallel_loop3A_158 = tpu.vector_load %arg16[%parallel_loop3A_156, %parallel_loop3A_157] {strides = array<i32>} : memref<2x2048xf32, #tpu.memory_space<vmem>>, vector<16xf32>,
      tpu.vector_store %arg16[%parallel_loop3A_156, %parallel_loop3A_157], %parallel_loop3A_127 {strides = array<i32>} : memref<2x2048xf32, #tpu.memory_space<vmem>>, vector<16xf32>,
    } {sc.loop_unroll_factor = 1 : i64, sc.parallel_access}
    %dma_start3A_93 = arith.constant 0 : i32
    %dma_start3A_94 = tpu.memref_slice %arg7[%select_n3A, %dma_start3A_93, %mul3A_32] : memref<4x2x8192xf32, #tpu.memory_space<hbm>> -> memref<1x2x2048xf32, #tpu.memory_space<hbm>>
    %dma_start3A_95 = tpu.memref_squeeze %dma_start3A_94 : memref<1x2x2048xf32, #tpu.memory_space<hbm>> -> memref<2x2048xf32, #tpu.memory_space<hbm>>
    %dma_start3A_96 = arith.constant 0 : i32
    %dma_start3A_97 = tpu.memref_slice %arg7[%select_n3A, %dma_start3A_96, %mul3A_32] : memref<4x2x8192xf32, #tpu.memory_space<hbm>> -> memref<1x2x2048xf32, #tpu.memory_space<hbm>>
    %dma_start3A_98 = tpu.memref_squeeze %dma_start3A_97 : memref<1x2x2048xf32, #tpu.memory_space<hbm>> -> memref<2x2048xf32, #tpu.memory_space<hbm>>
    tpu.enqueue_dma source(%arg15 : memref<2x2048xf32, #tpu.memory_space<vmem>>) target(%dma_start3A_98 : memref<2x2048xf32, #tpu.memory_space<hbm>>) target_semaphore(%arg17 : memref<!tpu.dma_semaphore, #tpu.memory_space<semaphore_mem>>)
    %dma_start3A_99 = arith.constant 0 : i32
    %dma_start3A_100 = tpu.memref_slice %arg8[%select_n3A, %dma_start3A_99, %mul3A_32] : memref<4x2x8192xf32, #tpu.memory_space<hbm>> -> memref<1x2x2048xf32, #tpu.memory_space<hbm>>
    %dma_start3A_101 = tpu.memref_squeeze %dma_start3A_100 : memref<1x2x2048xf32, #tpu.memory_space<hbm>> -> memref<2x2048xf32, #tpu.memory_space<hbm>>
    %dma_start3A_102 = arith.constant 0 : i32
    %dma_start3A_103 = tpu.memref_slice %arg8[%select_n3A, %dma_start3A_102, %mul3A_32] : memref<4x2x8192xf32, #tpu.memory_space<hbm>> -> memref<1x2x2048xf32, #tpu.memory_space<hbm>>
    %dma_start3A_104 = tpu.memref_squeeze %dma_start3A_103 : memref<1x2x2048xf32, #tpu.memory_space<hbm>> -> memref<2x2048xf32, #tpu.memory_space<hbm>>
    tpu.enqueue_dma source(%arg16 : memref<2x2048xf32, #tpu.memory_space<vmem>>) target(%dma_start3A_104 : memref<2x2048xf32, #tpu.memory_space<hbm>>) target_semaphore(%arg17 : memref<!tpu.dma_semaphore, #tpu.memory_space<semaphore_mem>>)
    %dma_wait3A_105 = arith.constant 0 : i32
    %dma_wait3A_106 = tpu.memref_slice %arg7[%select_n3A, %dma_wait3A_105, %mul3A_32] : memref<4x2x8192xf32, #tpu.memory_space<hbm>> -> memref<1x2x2048xf32, #tpu.memory_space<hbm>>
    %dma_wait3A_107 = tpu.memref_squeeze %dma_wait3A_106 : memref<1x2x2048xf32, #tpu.memory_space<hbm>> -> memref<2x2048xf32, #tpu.memory_space<hbm>>
    %dma_wait3A_108 = arith.constant 0 : i32
    %dma_wait3A_109 = tpu.memref_slice %arg7[%select_n3A, %dma_wait3A_108, %mul3A_32] : memref<4x2x8192xf32, #tpu.memory_space<hbm>> -> memref<1x2x2048xf32, #tpu.memory_space<hbm>>
    %dma_wait3A_110 = tpu.memref_squeeze %dma_wait3A_109 : memref<1x2x2048xf32, #tpu.memory_space<hbm>> -> memref<2x2048xf32, #tpu.memory_space<hbm>>
    tpu.wait_dma2 semaphore(%arg17 : memref<!tpu.dma_semaphore, #tpu.memory_space<semaphore_mem>>) src(%arg15 : memref<2x2048xf32, #tpu.memory_space<vmem>>) dst(%dma_wait3A_110 : memref<2x2048xf32, #tpu.memory_space<hbm>>)
    %dma_wait3A_111 = arith.constant 0 : i32
    %dma_wait3A_112 = tpu.memref_slice %arg8[%select_n3A, %dma_wait3A_111, %mul3A_32] : memref<4x2x8192xf32, #tpu.memory_space<hbm>> -> memref<1x2x2048xf32, #tpu.memory_space<hbm>>
    %dma_wait3A_113 = tpu.memref_squeeze %dma_wait3A_112 : memref<1x2x2048xf32, #tpu.memory_space<hbm>> -> memref<2x2048xf32, #tpu.memory_space<hbm>>
    %dma_wait3A_114 = arith.constant 0 : i32
    %dma_wait3A_115 = tpu.memref_slice %arg8[%select_n3A, %dma_wait3A_114, %mul3A_32] : memref<4x2x8192xf32, #tpu.memory_space<hbm>> -> memref<1x2x2048xf32, #tpu.memory_space<hbm>>
    %dma_wait3A_116 = tpu.memref_squeeze %dma_wait3A_115 : memref<1x2x2048xf32, #tpu.memory_space<hbm>> -> memref<2x2048xf32, #tpu.memory_space<hbm>>
    tpu.wait_dma2 semaphore(%arg17 : memref<!tpu.dma_semaphore, #tpu.memory_space<semaphore_mem>>) src(%arg16 : memref<2x2048xf32, #tpu.memory_space<vmem>>) dst(%dma_wait3A_116 : memref<2x2048xf32, #tpu.memory_space<hbm>>)
    return
  }
}

module attributes {stable_mosaic.version = 14 : i64} {
  func.func @_lut_body(%arg0: memref<1x64xf32, #tpu.memory_space<vmem>>, %arg1: memref<1x64xf32, #tpu.memory_space<vmem>>, %arg2: memref<64x64xf32, #tpu.memory_space<vmem>>, %arg3: memref<1x64xf32, #tpu.memory_space<vmem>>, %arg4: memref<2x64xf32, #tpu.memory_space<vmem>>, %arg5: memref<2x1xf32, #tpu.memory_space<vmem>>, %arg6: memref<2x2048xf32, #tpu.memory_space<vmem>>, %arg7: memref<4x8192xf32, #tpu.memory_space<vmem>>, %arg8: memref<4x8192xf32, #tpu.memory_space<vmem>>) attributes {dimension_semantics = [], scalar_prefetch = 0 : i64, scratch_operands = 0 : i64, tpu.core_type = #tpu.core_type<tc>} {
    %iota3A = tpu.iota {dimensions = array<i32: 0>} : vector<2048x1xi32>
    %sub3A = arith.constant 999 : i32
    %sub3A_0 = vector.broadcast %sub3A : i32 to vector<2048x1xi32>
    %sub3A_1 = arith.subi %iota3A, %sub3A_0 : vector<2048x1xi32>
    %convert_element_type3A = arith.sitofp %sub3A_1 : vector<2048x1xi32> to vector<2048x1xf32>
    %get3A = arith.constant 0 : index
    %get3A_2 = arith.constant 0 : index
    %get3A_3 = vector.load %arg0[%get3A, %get3A_2] : memref<1x64xf32, #tpu.memory_space<vmem>>, vector<1x64xf32>
    %mul3A = vector.broadcast %convert_element_type3A : vector<2048x1xf32> to vector<2048x64xf32>
    %mul3A_4 = vector.broadcast %get3A_3 : vector<1x64xf32> to vector<2048x64xf32>
    %mul3A_5 = arith.mulf %mul3A, %mul3A_4 : vector<2048x64xf32>
    %get3A_6 = arith.constant 0 : index
    %get3A_7 = arith.constant 0 : index
    %get3A_8 = vector.load %arg1[%get3A_6, %get3A_7] : memref<1x64xf32, #tpu.memory_space<vmem>>, vector<1x64xf32>
    %add3A = vector.broadcast %get3A_8 : vector<1x64xf32> to vector<2048x64xf32>
    %add3A_9 = arith.addf %mul3A_5, %add3A : vector<2048x64xf32>
    %mul3A_10 = arith.constant 5.000000e-01 : f32
    %mul3A_11 = vector.broadcast %mul3A_10 : f32 to vector<2048x64xf32>
    %mul3A_12 = arith.mulf %mul3A_11, %add3A_9 : vector<2048x64xf32>
    %mul3A_13 = arith.constant 0.707106769 : f32
    %mul3A_14 = vector.broadcast %mul3A_13 : f32 to vector<2048x64xf32>
    %mul3A_15 = arith.mulf %add3A_9, %mul3A_14 : vector<2048x64xf32>
    %erf3A = math.erf %mul3A_15 : vector<2048x64xf32>
    %add3A_16 = arith.constant 1.000000e+00 : f32
    %add3A_17 = vector.broadcast %add3A_16 : f32 to vector<2048x64xf32>
    %add3A_18 = arith.addf %add3A_17, %erf3A : vector<2048x64xf32>
    %mul3A_19 = arith.mulf %mul3A_12, %add3A_18 : vector<2048x64xf32>
    %get3A_20 = arith.constant 0 : index
    %get3A_21 = arith.constant 0 : index
    %get3A_22 = vector.load %arg2[%get3A_20, %get3A_21] : memref<64x64xf32, #tpu.memory_space<vmem>>, vector<64x64xf32>
    %dot_general3A = arith.constant dense<0.000000e+00> : vector<2048x64xf32>
    %dot_general3A_23 = tpu.matmul %mul3A_19, %get3A_22, %dot_general3A {dimension_numbers = #tpu.dot_dimension_numbers<[1], [1], [0], [0], [0, 0, 1, 0], [], []>, transpose_lhs_hint = false} : vector<2048x64xf32>, vector<64x64xf32>, vector<2048x64xf32> -> vector<2048x64xf32>
    %get3A_24 = arith.constant 0 : index
    %get3A_25 = arith.constant 0 : index
    %get3A_26 = vector.load %arg3[%get3A_24, %get3A_25] : memref<1x64xf32, #tpu.memory_space<vmem>>, vector<1x64xf32>
    %add3A_27 = vector.broadcast %get3A_26 : vector<1x64xf32> to vector<2048x64xf32>
    %add3A_28 = arith.addf %dot_general3A_23, %add3A_27 : vector<2048x64xf32>
    %mul3A_29 = arith.constant 5.000000e-01 : f32
    %mul3A_30 = vector.broadcast %mul3A_29 : f32 to vector<2048x64xf32>
    %mul3A_31 = arith.mulf %mul3A_30, %add3A_28 : vector<2048x64xf32>
    %mul3A_32 = arith.constant 0.707106769 : f32
    %mul3A_33 = vector.broadcast %mul3A_32 : f32 to vector<2048x64xf32>
    %mul3A_34 = arith.mulf %add3A_28, %mul3A_33 : vector<2048x64xf32>
    %erf3A_35 = math.erf %mul3A_34 : vector<2048x64xf32>
    %add3A_36 = arith.constant 1.000000e+00 : f32
    %add3A_37 = vector.broadcast %add3A_36 : f32 to vector<2048x64xf32>
    %add3A_38 = arith.addf %add3A_37, %erf3A_35 : vector<2048x64xf32>
    %mul3A_39 = arith.mulf %mul3A_31, %add3A_38 : vector<2048x64xf32>
    %get3A_40 = arith.constant 0 : index
    %get3A_41 = arith.constant 0 : index
    %get3A_42 = vector.load %arg4[%get3A_40, %get3A_41] : memref<2x64xf32, #tpu.memory_space<vmem>>, vector<2x64xf32>
    %dot_general3A_43 = arith.constant dense<0.000000e+00> : vector<2x2048xf32>
    %dot_general3A_44 = tpu.matmul %get3A_42, %mul3A_39, %dot_general3A_43 {dimension_numbers = #tpu.dot_dimension_numbers<[1], [1], [0], [0], [0, 0, 1, 0], [], []>, transpose_lhs_hint = false} : vector<2x64xf32>, vector<2048x64xf32>, vector<2x2048xf32> -> vector<2x2048xf32>
    %get3A_45 = arith.constant 0 : index
    %get3A_46 = arith.constant 0 : index
    %get3A_47 = vector.load %arg5[%get3A_45, %get3A_46] : memref<2x1xf32, #tpu.memory_space<vmem>>, vector<2x1xf32>
    %add3A_48 = vector.broadcast %get3A_47 : vector<2x1xf32> to vector<2x2048xf32>
    %add3A_49 = arith.addf %dot_general3A_44, %add3A_48 : vector<2x2048xf32>
    %swap3A = arith.constant 0 : index
    %swap3A_50 = arith.constant 0 : index
    %swap3A_51 = vector.load %arg6[%swap3A, %swap3A_50] : memref<2x2048xf32, #tpu.memory_space<vmem>>, vector<2x2048xf32>
    tpu.vector_store %arg6[%swap3A, %swap3A_50], %add3A_49 {strides = array<i32>} : memref<2x2048xf32, #tpu.memory_space<vmem>>, vector<2x2048xf32>,
    %iota3A_52 = tpu.iota {dimensions = array<i32: 0>} : vector<4x8192xi32>
    %iota3A_53 = tpu.iota {dimensions = array<i32: 1>} : vector<4x8192xi32>
    %mul3A_54 = arith.constant 8192 : i32
    %mul3A_55 = vector.broadcast %mul3A_54 : i32 to vector<4x8192xi32>
    %mul3A_56 = arith.muli %iota3A_52, %mul3A_55 : vector<4x8192xi32>
    %add3A_57 = arith.addi %mul3A_56, %iota3A_53 : vector<4x8192xi32>
    %mul3A_58 = arith.constant 2 : i32
    %mul3A_59 = vector.broadcast %mul3A_58 : i32 to vector<4x8192xi32>
    %mul3A_60 = arith.muli %add3A_57, %mul3A_59 : vector<4x8192xi32>
    %broadcast_in_dim3A = arith.constant 0 : i32
    %broadcast_in_dim3A_61 = vector.broadcast %broadcast_in_dim3A : i32 to vector<4x8192xi32>
    %add3A_62 = arith.constant 123 : i32
    %add3A_63 = vector.broadcast %add3A_62 : i32 to vector<4x8192xi32>
    %add3A_64 = arith.addi %mul3A_60, %add3A_63 : vector<4x8192xi32>
    %add3A_65 = arith.addi %broadcast_in_dim3A_61, %add3A_64 : vector<4x8192xi32>
    %shift_left3A = arith.constant 13 : i32
    %shift_left3A_66 = vector.broadcast %shift_left3A : i32 to vector<4x8192xi32>
    %shift_left3A_67 = arith.shli %add3A_64, %shift_left3A_66 : vector<4x8192xi32>
    %shift_right_logical3A = arith.constant 19 : i32
    %shift_right_logical3A_68 = vector.broadcast %shift_right_logical3A : i32 to vector<4x8192xi32>
    %shift_right_logical3A_69 = arith.shrui %add3A_64, %shift_right_logical3A_68 : vector<4x8192xi32>
    %or3A = arith.ori %shift_left3A_67, %shift_right_logical3A_69 : vector<4x8192xi32>
    %xor3A = arith.xori %add3A_65, %or3A : vector<4x8192xi32>
    %add3A_70 = arith.addi %add3A_65, %xor3A : vector<4x8192xi32>
    %shift_left3A_71 = arith.constant 15 : i32
    %shift_left3A_72 = vector.broadcast %shift_left3A_71 : i32 to vector<4x8192xi32>
    %shift_left3A_73 = arith.shli %xor3A, %shift_left3A_72 : vector<4x8192xi32>
    %shift_right_logical3A_74 = arith.constant 17 : i32
    %shift_right_logical3A_75 = vector.broadcast %shift_right_logical3A_74 : i32 to vector<4x8192xi32>
    %shift_right_logical3A_76 = arith.shrui %xor3A, %shift_right_logical3A_75 : vector<4x8192xi32>
    %or3A_77 = arith.ori %shift_left3A_73, %shift_right_logical3A_76 : vector<4x8192xi32>
    %xor3A_78 = arith.xori %add3A_70, %or3A_77 : vector<4x8192xi32>
    %add3A_79 = arith.addi %add3A_70, %xor3A_78 : vector<4x8192xi32>
    %shift_left3A_80 = arith.constant 26 : i32
    %shift_left3A_81 = vector.broadcast %shift_left3A_80 : i32 to vector<4x8192xi32>
    %shift_left3A_82 = arith.shli %xor3A_78, %shift_left3A_81 : vector<4x8192xi32>
    %shift_right_logical3A_83 = arith.constant 6 : i32
    %shift_right_logical3A_84 = vector.broadcast %shift_right_logical3A_83 : i32 to vector<4x8192xi32>
    %shift_right_logical3A_85 = arith.shrui %xor3A_78, %shift_right_logical3A_84 : vector<4x8192xi32>
    %or3A_86 = arith.ori %shift_left3A_82, %shift_right_logical3A_85 : vector<4x8192xi32>
    %xor3A_87 = arith.xori %add3A_79, %or3A_86 : vector<4x8192xi32>
    %add3A_88 = arith.addi %add3A_79, %xor3A_87 : vector<4x8192xi32>
    %shift_left3A_89 = arith.constant 6 : i32
    %shift_left3A_90 = vector.broadcast %shift_left3A_89 : i32 to vector<4x8192xi32>
    %shift_left3A_91 = arith.shli %xor3A_87, %shift_left3A_90 : vector<4x8192xi32>
    %shift_right_logical3A_92 = arith.constant 26 : i32
    %shift_right_logical3A_93 = vector.broadcast %shift_right_logical3A_92 : i32 to vector<4x8192xi32>
    %shift_right_logical3A_94 = arith.shrui %xor3A_87, %shift_right_logical3A_93 : vector<4x8192xi32>
    %or3A_95 = arith.ori %shift_left3A_91, %shift_right_logical3A_94 : vector<4x8192xi32>
    %xor3A_96 = arith.xori %add3A_88, %or3A_95 : vector<4x8192xi32>
    %add3A_97 = arith.constant 123 : i32
    %add3A_98 = vector.broadcast %add3A_97 : i32 to vector<4x8192xi32>
    %add3A_99 = arith.addi %add3A_88, %add3A_98 : vector<4x8192xi32>
    %add3A_100 = arith.constant 466688929 : i32
    %add3A_101 = vector.broadcast %add3A_100 : i32 to vector<4x8192xi32>
    %add3A_102 = arith.addi %xor3A_96, %add3A_101 : vector<4x8192xi32>
    %add3A_103 = arith.constant 1 : i32
    %add3A_104 = vector.broadcast %add3A_103 : i32 to vector<4x8192xi32>
    %add3A_105 = arith.addi %add3A_102, %add3A_104 : vector<4x8192xi32>
    %add3A_106 = arith.addi %add3A_99, %add3A_105 : vector<4x8192xi32>
    %shift_left3A_107 = arith.constant 17 : i32
    %shift_left3A_108 = vector.broadcast %shift_left3A_107 : i32 to vector<4x8192xi32>
    %shift_left3A_109 = arith.shli %add3A_105, %shift_left3A_108 : vector<4x8192xi32>
    %shift_right_logical3A_110 = arith.constant 15 : i32
    %shift_right_logical3A_111 = vector.broadcast %shift_right_logical3A_110 : i32 to vector<4x8192xi32>
    %shift_right_logical3A_112 = arith.shrui %add3A_105, %shift_right_logical3A_111 : vector<4x8192xi32>
    %or3A_113 = arith.ori %shift_left3A_109, %shift_right_logical3A_112 : vector<4x8192xi32>
    %xor3A_114 = arith.xori %add3A_106, %or3A_113 : vector<4x8192xi32>
    %add3A_115 = arith.addi %add3A_106, %xor3A_114 : vector<4x8192xi32>
    %shift_left3A_116 = arith.constant 29 : i32
    %shift_left3A_117 = vector.broadcast %shift_left3A_116 : i32 to vector<4x8192xi32>
    %shift_left3A_118 = arith.shli %xor3A_114, %shift_left3A_117 : vector<4x8192xi32>
    %shift_right_logical3A_119 = arith.constant 3 : i32
    %shift_right_logical3A_120 = vector.broadcast %shift_right_logical3A_119 : i32 to vector<4x8192xi32>
    %shift_right_logical3A_121 = arith.shrui %xor3A_114, %shift_right_logical3A_120 : vector<4x8192xi32>
    %or3A_122 = arith.ori %shift_left3A_118, %shift_right_logical3A_121 : vector<4x8192xi32>
    %xor3A_123 = arith.xori %add3A_115, %or3A_122 : vector<4x8192xi32>
    %add3A_124 = arith.addi %add3A_115, %xor3A_123 : vector<4x8192xi32>
    %shift_left3A_125 = arith.constant 16 : i32
    %shift_left3A_126 = vector.broadcast %shift_left3A_125 : i32 to vector<4x8192xi32>
    %shift_left3A_127 = arith.shli %xor3A_123, %shift_left3A_126 : vector<4x8192xi32>
    %shift_right_logical3A_128 = arith.constant 16 : i32
    %shift_right_logical3A_129 = vector.broadcast %shift_right_logical3A_128 : i32 to vector<4x8192xi32>
    %shift_right_logical3A_130 = arith.shrui %xor3A_123, %shift_right_logical3A_129 : vector<4x8192xi32>
    %or3A_131 = arith.ori %shift_left3A_127, %shift_right_logical3A_130 : vector<4x8192xi32>
    %xor3A_132 = arith.xori %add3A_124, %or3A_131 : vector<4x8192xi32>
    %add3A_133 = arith.addi %add3A_124, %xor3A_132 : vector<4x8192xi32>
    %shift_left3A_134 = arith.constant 24 : i32
    %shift_left3A_135 = vector.broadcast %shift_left3A_134 : i32 to vector<4x8192xi32>
    %shift_left3A_136 = arith.shli %xor3A_132, %shift_left3A_135 : vector<4x8192xi32>
    %shift_right_logical3A_137 = arith.constant 8 : i32
    %shift_right_logical3A_138 = vector.broadcast %shift_right_logical3A_137 : i32 to vector<4x8192xi32>
    %shift_right_logical3A_139 = arith.shrui %xor3A_132, %shift_right_logical3A_138 : vector<4x8192xi32>
    %or3A_140 = arith.ori %shift_left3A_136, %shift_right_logical3A_139 : vector<4x8192xi32>
    %xor3A_141 = arith.xori %add3A_133, %or3A_140 : vector<4x8192xi32>
    %add3A_142 = arith.constant 466688929 : i32
    %add3A_143 = vector.broadcast %add3A_142 : i32 to vector<4x8192xi32>
    %add3A_144 = arith.addi %add3A_133, %add3A_143 : vector<4x8192xi32>
    %add3A_145 = arith.constant 0 : i32
    %add3A_146 = vector.broadcast %add3A_145 : i32 to vector<4x8192xi32>
    %add3A_147 = arith.addi %xor3A_141, %add3A_146 : vector<4x8192xi32>
    %add3A_148 = arith.constant 2 : i32
    %add3A_149 = vector.broadcast %add3A_148 : i32 to vector<4x8192xi32>
    %add3A_150 = arith.addi %add3A_147, %add3A_149 : vector<4x8192xi32>
    %add3A_151 = arith.addi %add3A_144, %add3A_150 : vector<4x8192xi32>
    %shift_left3A_152 = arith.constant 13 : i32
    %shift_left3A_153 = vector.broadcast %shift_left3A_152 : i32 to vector<4x8192xi32>
    %shift_left3A_154 = arith.shli %add3A_150, %shift_left3A_153 : vector<4x8192xi32>
    %shift_right_logical3A_155 = arith.constant 19 : i32
    %shift_right_logical3A_156 = vector.broadcast %shift_right_logical3A_155 : i32 to vector<4x8192xi32>
    %shift_right_logical3A_157 = arith.shrui %add3A_150, %shift_right_logical3A_156 : vector<4x8192xi32>
    %or3A_158 = arith.ori %shift_left3A_154, %shift_right_logical3A_157 : vector<4x8192xi32>
    %xor3A_159 = arith.xori %add3A_151, %or3A_158 : vector<4x8192xi32>
    %add3A_160 = arith.addi %add3A_151, %xor3A_159 : vector<4x8192xi32>
    %shift_left3A_161 = arith.constant 15 : i32
    %shift_left3A_162 = vector.broadcast %shift_left3A_161 : i32 to vector<4x8192xi32>
    %shift_left3A_163 = arith.shli %xor3A_159, %shift_left3A_162 : vector<4x8192xi32>
    %shift_right_logical3A_164 = arith.constant 17 : i32
    %shift_right_logical3A_165 = vector.broadcast %shift_right_logical3A_164 : i32 to vector<4x8192xi32>
    %shift_right_logical3A_166 = arith.shrui %xor3A_159, %shift_right_logical3A_165 : vector<4x8192xi32>
    %or3A_167 = arith.ori %shift_left3A_163, %shift_right_logical3A_166 : vector<4x8192xi32>
    %xor3A_168 = arith.xori %add3A_160, %or3A_167 : vector<4x8192xi32>
    %add3A_169 = arith.addi %add3A_160, %xor3A_168 : vector<4x8192xi32>
    %shift_left3A_170 = arith.constant 26 : i32
    %shift_left3A_171 = vector.broadcast %shift_left3A_170 : i32 to vector<4x8192xi32>
    %shift_left3A_172 = arith.shli %xor3A_168, %shift_left3A_171 : vector<4x8192xi32>
    %shift_right_logical3A_173 = arith.constant 6 : i32
    %shift_right_logical3A_174 = vector.broadcast %shift_right_logical3A_173 : i32 to vector<4x8192xi32>
    %shift_right_logical3A_175 = arith.shrui %xor3A_168, %shift_right_logical3A_174 : vector<4x8192xi32>
    %or3A_176 = arith.ori %shift_left3A_172, %shift_right_logical3A_175 : vector<4x8192xi32>
    %xor3A_177 = arith.xori %add3A_169, %or3A_176 : vector<4x8192xi32>
    %add3A_178 = arith.addi %add3A_169, %xor3A_177 : vector<4x8192xi32>
    %shift_left3A_179 = arith.constant 6 : i32
    %shift_left3A_180 = vector.broadcast %shift_left3A_179 : i32 to vector<4x8192xi32>
    %shift_left3A_181 = arith.shli %xor3A_177, %shift_left3A_180 : vector<4x8192xi32>
    %shift_right_logical3A_182 = arith.constant 26 : i32
    %shift_right_logical3A_183 = vector.broadcast %shift_right_logical3A_182 : i32 to vector<4x8192xi32>
    %shift_right_logical3A_184 = arith.shrui %xor3A_177, %shift_right_logical3A_183 : vector<4x8192xi32>
    %or3A_185 = arith.ori %shift_left3A_181, %shift_right_logical3A_184 : vector<4x8192xi32>
    %xor3A_186 = arith.xori %add3A_178, %or3A_185 : vector<4x8192xi32>
    %add3A_187 = arith.constant 0 : i32
    %add3A_188 = vector.broadcast %add3A_187 : i32 to vector<4x8192xi32>
    %add3A_189 = arith.addi %add3A_178, %add3A_188 : vector<4x8192xi32>
    %add3A_190 = arith.constant 123 : i32
    %add3A_191 = vector.broadcast %add3A_190 : i32 to vector<4x8192xi32>
    %add3A_192 = arith.addi %xor3A_186, %add3A_191 : vector<4x8192xi32>
    %add3A_193 = arith.constant 3 : i32
    %add3A_194 = vector.broadcast %add3A_193 : i32 to vector<4x8192xi32>
    %add3A_195 = arith.addi %add3A_192, %add3A_194 : vector<4x8192xi32>
    %add3A_196 = arith.addi %add3A_189, %add3A_195 : vector<4x8192xi32>
    %shift_left3A_197 = arith.constant 17 : i32
    %shift_left3A_198 = vector.broadcast %shift_left3A_197 : i32 to vector<4x8192xi32>
    %shift_left3A_199 = arith.shli %add3A_195, %shift_left3A_198 : vector<4x8192xi32>
    %shift_right_logical3A_200 = arith.constant 15 : i32
    %shift_right_logical3A_201 = vector.broadcast %shift_right_logical3A_200 : i32 to vector<4x8192xi32>
    %shift_right_logical3A_202 = arith.shrui %add3A_195, %shift_right_logical3A_201 : vector<4x8192xi32>
    %or3A_203 = arith.ori %shift_left3A_199, %shift_right_logical3A_202 : vector<4x8192xi32>
    %xor3A_204 = arith.xori %add3A_196, %or3A_203 : vector<4x8192xi32>
    %add3A_205 = arith.addi %add3A_196, %xor3A_204 : vector<4x8192xi32>
    %shift_left3A_206 = arith.constant 29 : i32
    %shift_left3A_207 = vector.broadcast %shift_left3A_206 : i32 to vector<4x8192xi32>
    %shift_left3A_208 = arith.shli %xor3A_204, %shift_left3A_207 : vector<4x8192xi32>
    %shift_right_logical3A_209 = arith.constant 3 : i32
    %shift_right_logical3A_210 = vector.broadcast %shift_right_logical3A_209 : i32 to vector<4x8192xi32>
    %shift_right_logical3A_211 = arith.shrui %xor3A_204, %shift_right_logical3A_210 : vector<4x8192xi32>
    %or3A_212 = arith.ori %shift_left3A_208, %shift_right_logical3A_211 : vector<4x8192xi32>
    %xor3A_213 = arith.xori %add3A_205, %or3A_212 : vector<4x8192xi32>
    %add3A_214 = arith.addi %add3A_205, %xor3A_213 : vector<4x8192xi32>
    %shift_left3A_215 = arith.constant 16 : i32
    %shift_left3A_216 = vector.broadcast %shift_left3A_215 : i32 to vector<4x8192xi32>
    %shift_left3A_217 = arith.shli %xor3A_213, %shift_left3A_216 : vector<4x8192xi32>
    %shift_right_logical3A_218 = arith.constant 16 : i32
    %shift_right_logical3A_219 = vector.broadcast %shift_right_logical3A_218 : i32 to vector<4x8192xi32>
    %shift_right_logical3A_220 = arith.shrui %xor3A_213, %shift_right_logical3A_219 : vector<4x8192xi32>
    %or3A_221 = arith.ori %shift_left3A_217, %shift_right_logical3A_220 : vector<4x8192xi32>
    %xor3A_222 = arith.xori %add3A_214, %or3A_221 : vector<4x8192xi32>
    %add3A_223 = arith.addi %add3A_214, %xor3A_222 : vector<4x8192xi32>
    %shift_left3A_224 = arith.constant 24 : i32
    %shift_left3A_225 = vector.broadcast %shift_left3A_224 : i32 to vector<4x8192xi32>
    %shift_left3A_226 = arith.shli %xor3A_222, %shift_left3A_225 : vector<4x8192xi32>
    %shift_right_logical3A_227 = arith.constant 8 : i32
    %shift_right_logical3A_228 = vector.broadcast %shift_right_logical3A_227 : i32 to vector<4x8192xi32>
    %shift_right_logical3A_229 = arith.shrui %xor3A_222, %shift_right_logical3A_228 : vector<4x8192xi32>
    %or3A_230 = arith.ori %shift_left3A_226, %shift_right_logical3A_229 : vector<4x8192xi32>
    %xor3A_231 = arith.xori %add3A_223, %or3A_230 : vector<4x8192xi32>
    %add3A_232 = arith.constant 123 : i32
    %add3A_233 = vector.broadcast %add3A_232 : i32 to vector<4x8192xi32>
    %add3A_234 = arith.addi %add3A_223, %add3A_233 : vector<4x8192xi32>
    %add3A_235 = arith.constant 466688929 : i32
    %add3A_236 = vector.broadcast %add3A_235 : i32 to vector<4x8192xi32>
    %add3A_237 = arith.addi %xor3A_231, %add3A_236 : vector<4x8192xi32>
    %add3A_238 = arith.constant 4 : i32
    %add3A_239 = vector.broadcast %add3A_238 : i32 to vector<4x8192xi32>
    %add3A_240 = arith.addi %add3A_237, %add3A_239 : vector<4x8192xi32>
    %add3A_241 = arith.addi %add3A_234, %add3A_240 : vector<4x8192xi32>
    %shift_left3A_242 = arith.constant 13 : i32
    %shift_left3A_243 = vector.broadcast %shift_left3A_242 : i32 to vector<4x8192xi32>
    %shift_left3A_244 = arith.shli %add3A_240, %shift_left3A_243 : vector<4x8192xi32>
    %shift_right_logical3A_245 = arith.constant 19 : i32
    %shift_right_logical3A_246 = vector.broadcast %shift_right_logical3A_245 : i32 to vector<4x8192xi32>
    %shift_right_logical3A_247 = arith.shrui %add3A_240, %shift_right_logical3A_246 : vector<4x8192xi32>
    %or3A_248 = arith.ori %shift_left3A_244, %shift_right_logical3A_247 : vector<4x8192xi32>
    %xor3A_249 = arith.xori %add3A_241, %or3A_248 : vector<4x8192xi32>
    %add3A_250 = arith.addi %add3A_241, %xor3A_249 : vector<4x8192xi32>
    %shift_left3A_251 = arith.constant 15 : i32
    %shift_left3A_252 = vector.broadcast %shift_left3A_251 : i32 to vector<4x8192xi32>
    %shift_left3A_253 = arith.shli %xor3A_249, %shift_left3A_252 : vector<4x8192xi32>
    %shift_right_logical3A_254 = arith.constant 17 : i32
    %shift_right_logical3A_255 = vector.broadcast %shift_right_logical3A_254 : i32 to vector<4x8192xi32>
    %shift_right_logical3A_256 = arith.shrui %xor3A_249, %shift_right_logical3A_255 : vector<4x8192xi32>
    %or3A_257 = arith.ori %shift_left3A_253, %shift_right_logical3A_256 : vector<4x8192xi32>
    %xor3A_258 = arith.xori %add3A_250, %or3A_257 : vector<4x8192xi32>
    %add3A_259 = arith.addi %add3A_250, %xor3A_258 : vector<4x8192xi32>
    %shift_left3A_260 = arith.constant 26 : i32
    %shift_left3A_261 = vector.broadcast %shift_left3A_260 : i32 to vector<4x8192xi32>
    %shift_left3A_262 = arith.shli %xor3A_258, %shift_left3A_261 : vector<4x8192xi32>
    %shift_right_logical3A_263 = arith.constant 6 : i32
    %shift_right_logical3A_264 = vector.broadcast %shift_right_logical3A_263 : i32 to vector<4x8192xi32>
    %shift_right_logical3A_265 = arith.shrui %xor3A_258, %shift_right_logical3A_264 : vector<4x8192xi32>
    %or3A_266 = arith.ori %shift_left3A_262, %shift_right_logical3A_265 : vector<4x8192xi32>
    %xor3A_267 = arith.xori %add3A_259, %or3A_266 : vector<4x8192xi32>
    %add3A_268 = arith.addi %add3A_259, %xor3A_267 : vector<4x8192xi32>
    %shift_left3A_269 = arith.constant 6 : i32
    %shift_left3A_270 = vector.broadcast %shift_left3A_269 : i32 to vector<4x8192xi32>
    %shift_left3A_271 = arith.shli %xor3A_267, %shift_left3A_270 : vector<4x8192xi32>
    %shift_right_logical3A_272 = arith.constant 26 : i32
    %shift_right_logical3A_273 = vector.broadcast %shift_right_logical3A_272 : i32 to vector<4x8192xi32>
    %shift_right_logical3A_274 = arith.shrui %xor3A_267, %shift_right_logical3A_273 : vector<4x8192xi32>
    %or3A_275 = arith.ori %shift_left3A_271, %shift_right_logical3A_274 : vector<4x8192xi32>
    %xor3A_276 = arith.xori %add3A_268, %or3A_275 : vector<4x8192xi32>
    %add3A_277 = arith.constant 466688929 : i32
    %add3A_278 = vector.broadcast %add3A_277 : i32 to vector<4x8192xi32>
    %add3A_279 = arith.addi %add3A_268, %add3A_278 : vector<4x8192xi32>
    %add3A_280 = arith.constant 0 : i32
    %add3A_281 = vector.broadcast %add3A_280 : i32 to vector<4x8192xi32>
    %add3A_282 = arith.addi %xor3A_276, %add3A_281 : vector<4x8192xi32>
    %add3A_283 = arith.constant 5 : i32
    %add3A_284 = vector.broadcast %add3A_283 : i32 to vector<4x8192xi32>
    %add3A_285 = arith.addi %add3A_282, %add3A_284 : vector<4x8192xi32>
    %xor3A_286 = arith.xori %add3A_279, %add3A_285 : vector<4x8192xi32>
    %shift_right_logical3A_287 = arith.constant 9 : i32
    %shift_right_logical3A_288 = vector.broadcast %shift_right_logical3A_287 : i32 to vector<4x8192xi32>
    %shift_right_logical3A_289 = arith.shrui %xor3A_286, %shift_right_logical3A_288 : vector<4x8192xi32>
    %or3A_290 = arith.constant 1065353216 : i32
    %or3A_291 = vector.broadcast %or3A_290 : i32 to vector<4x8192xi32>
    %or3A_292 = arith.ori %shift_right_logical3A_289, %or3A_291 : vector<4x8192xi32>
    %bitcast_convert_type3A = tpu.bitcast %or3A_292 : vector<4x8192xi32> -> vector<4x8192xf32>
    %sub3A_293 = arith.constant 1.000000e+00 : f32
    %sub3A_294 = vector.broadcast %sub3A_293 : f32 to vector<4x8192xf32>
    %sub3A_295 = arith.subf %bitcast_convert_type3A, %sub3A_294 : vector<4x8192xf32>
    %add3A_296 = arith.constant 9.99999974E-6 : f32
    %add3A_297 = vector.broadcast %add3A_296 : f32 to vector<4x8192xf32>
    %add3A_298 = arith.addf %sub3A_295, %add3A_297 : vector<4x8192xf32>
    %log3A = math.log %add3A_298 : vector<4x8192xf32>
    %neg3A = arith.constant 0.000000e+00 : f32
    %neg3A_299 = vector.broadcast %neg3A : f32 to vector<4x8192xf32>
    %neg3A_300 = arith.subf %neg3A_299, %log3A : vector<4x8192xf32>
    %add3A_301 = arith.constant 9.99999974E-6 : f32
    %add3A_302 = vector.broadcast %add3A_301 : f32 to vector<4x8192xf32>
    %add3A_303 = arith.addf %neg3A_300, %add3A_302 : vector<4x8192xf32>
    %log3A_304 = math.log %add3A_303 : vector<4x8192xf32>
    %neg3A_305 = arith.constant 0.000000e+00 : f32
    %neg3A_306 = vector.broadcast %neg3A_305 : f32 to vector<4x8192xf32>
    %neg3A_307 = arith.subf %neg3A_306, %log3A_304 : vector<4x8192xf32>
    %swap3A_308 = arith.constant 0 : index
    %swap3A_309 = arith.constant 0 : index
    %swap3A_310 = vector.load %arg7[%swap3A_308, %swap3A_309] : memref<4x8192xf32, #tpu.memory_space<vmem>>, vector<4x8192xf32>
    tpu.vector_store %arg7[%swap3A_308, %swap3A_309], %neg3A_307 {strides = array<i32>} : memref<4x8192xf32, #tpu.memory_space<vmem>>, vector<4x8192xf32>,
    %add3A_311 = arith.constant 1 : i32
    %add3A_312 = vector.broadcast %add3A_311 : i32 to vector<4x8192xi32>
    %add3A_313 = arith.addi %mul3A_60, %add3A_312 : vector<4x8192xi32>
    %broadcast_in_dim3A_314 = arith.constant 0 : i32
    %broadcast_in_dim3A_315 = vector.broadcast %broadcast_in_dim3A_314 : i32 to vector<4x8192xi32>
    %add3A_316 = arith.constant 123 : i32
    %add3A_317 = vector.broadcast %add3A_316 : i32 to vector<4x8192xi32>
    %add3A_318 = arith.addi %add3A_313, %add3A_317 : vector<4x8192xi32>
    %add3A_319 = arith.addi %broadcast_in_dim3A_315, %add3A_318 : vector<4x8192xi32>
    %shift_left3A_320 = arith.constant 13 : i32
    %shift_left3A_321 = vector.broadcast %shift_left3A_320 : i32 to vector<4x8192xi32>
    %shift_left3A_322 = arith.shli %add3A_318, %shift_left3A_321 : vector<4x8192xi32>
    %shift_right_logical3A_323 = arith.constant 19 : i32
    %shift_right_logical3A_324 = vector.broadcast %shift_right_logical3A_323 : i32 to vector<4x8192xi32>
    %shift_right_logical3A_325 = arith.shrui %add3A_318, %shift_right_logical3A_324 : vector<4x8192xi32>
    %or3A_326 = arith.ori %shift_left3A_322, %shift_right_logical3A_325 : vector<4x8192xi32>
    %xor3A_327 = arith.xori %add3A_319, %or3A_326 : vector<4x8192xi32>
    %add3A_328 = arith.addi %add3A_319, %xor3A_327 : vector<4x8192xi32>
    %shift_left3A_329 = arith.constant 15 : i32
    %shift_left3A_330 = vector.broadcast %shift_left3A_329 : i32 to vector<4x8192xi32>
    %shift_left3A_331 = arith.shli %xor3A_327, %shift_left3A_330 : vector<4x8192xi32>
    %shift_right_logical3A_332 = arith.constant 17 : i32
    %shift_right_logical3A_333 = vector.broadcast %shift_right_logical3A_332 : i32 to vector<4x8192xi32>
    %shift_right_logical3A_334 = arith.shrui %xor3A_327, %shift_right_logical3A_333 : vector<4x8192xi32>
    %or3A_335 = arith.ori %shift_left3A_331, %shift_right_logical3A_334 : vector<4x8192xi32>
    %xor3A_336 = arith.xori %add3A_328, %or3A_335 : vector<4x8192xi32>
    %add3A_337 = arith.addi %add3A_328, %xor3A_336 : vector<4x8192xi32>
    %shift_left3A_338 = arith.constant 26 : i32
    %shift_left3A_339 = vector.broadcast %shift_left3A_338 : i32 to vector<4x8192xi32>
    %shift_left3A_340 = arith.shli %xor3A_336, %shift_left3A_339 : vector<4x8192xi32>
    %shift_right_logical3A_341 = arith.constant 6 : i32
    %shift_right_logical3A_342 = vector.broadcast %shift_right_logical3A_341 : i32 to vector<4x8192xi32>
    %shift_right_logical3A_343 = arith.shrui %xor3A_336, %shift_right_logical3A_342 : vector<4x8192xi32>
    %or3A_344 = arith.ori %shift_left3A_340, %shift_right_logical3A_343 : vector<4x8192xi32>
    %xor3A_345 = arith.xori %add3A_337, %or3A_344 : vector<4x8192xi32>
    %add3A_346 = arith.addi %add3A_337, %xor3A_345 : vector<4x8192xi32>
    %shift_left3A_347 = arith.constant 6 : i32
    %shift_left3A_348 = vector.broadcast %shift_left3A_347 : i32 to vector<4x8192xi32>
    %shift_left3A_349 = arith.shli %xor3A_345, %shift_left3A_348 : vector<4x8192xi32>
    %shift_right_logical3A_350 = arith.constant 26 : i32
    %shift_right_logical3A_351 = vector.broadcast %shift_right_logical3A_350 : i32 to vector<4x8192xi32>
    %shift_right_logical3A_352 = arith.shrui %xor3A_345, %shift_right_logical3A_351 : vector<4x8192xi32>
    %or3A_353 = arith.ori %shift_left3A_349, %shift_right_logical3A_352 : vector<4x8192xi32>
    %xor3A_354 = arith.xori %add3A_346, %or3A_353 : vector<4x8192xi32>
    %add3A_355 = arith.constant 123 : i32
    %add3A_356 = vector.broadcast %add3A_355 : i32 to vector<4x8192xi32>
    %add3A_357 = arith.addi %add3A_346, %add3A_356 : vector<4x8192xi32>
    %add3A_358 = arith.constant 466688929 : i32
    %add3A_359 = vector.broadcast %add3A_358 : i32 to vector<4x8192xi32>
    %add3A_360 = arith.addi %xor3A_354, %add3A_359 : vector<4x8192xi32>
    %add3A_361 = arith.constant 1 : i32
    %add3A_362 = vector.broadcast %add3A_361 : i32 to vector<4x8192xi32>
    %add3A_363 = arith.addi %add3A_360, %add3A_362 : vector<4x8192xi32>
    %add3A_364 = arith.addi %add3A_357, %add3A_363 : vector<4x8192xi32>
    %shift_left3A_365 = arith.constant 17 : i32
    %shift_left3A_366 = vector.broadcast %shift_left3A_365 : i32 to vector<4x8192xi32>
    %shift_left3A_367 = arith.shli %add3A_363, %shift_left3A_366 : vector<4x8192xi32>
    %shift_right_logical3A_368 = arith.constant 15 : i32
    %shift_right_logical3A_369 = vector.broadcast %shift_right_logical3A_368 : i32 to vector<4x8192xi32>
    %shift_right_logical3A_370 = arith.shrui %add3A_363, %shift_right_logical3A_369 : vector<4x8192xi32>
    %or3A_371 = arith.ori %shift_left3A_367, %shift_right_logical3A_370 : vector<4x8192xi32>
    %xor3A_372 = arith.xori %add3A_364, %or3A_371 : vector<4x8192xi32>
    %add3A_373 = arith.addi %add3A_364, %xor3A_372 : vector<4x8192xi32>
    %shift_left3A_374 = arith.constant 29 : i32
    %shift_left3A_375 = vector.broadcast %shift_left3A_374 : i32 to vector<4x8192xi32>
    %shift_left3A_376 = arith.shli %xor3A_372, %shift_left3A_375 : vector<4x8192xi32>
    %shift_right_logical3A_377 = arith.constant 3 : i32
    %shift_right_logical3A_378 = vector.broadcast %shift_right_logical3A_377 : i32 to vector<4x8192xi32>
    %shift_right_logical3A_379 = arith.shrui %xor3A_372, %shift_right_logical3A_378 : vector<4x8192xi32>
    %or3A_380 = arith.ori %shift_left3A_376, %shift_right_logical3A_379 : vector<4x8192xi32>
    %xor3A_381 = arith.xori %add3A_373, %or3A_380 : vector<4x8192xi32>
    %add3A_382 = arith.addi %add3A_373, %xor3A_381 : vector<4x8192xi32>
    %shift_left3A_383 = arith.constant 16 : i32
    %shift_left3A_384 = vector.broadcast %shift_left3A_383 : i32 to vector<4x8192xi32>
    %shift_left3A_385 = arith.shli %xor3A_381, %shift_left3A_384 : vector<4x8192xi32>
    %shift_right_logical3A_386 = arith.constant 16 : i32
    %shift_right_logical3A_387 = vector.broadcast %shift_right_logical3A_386 : i32 to vector<4x8192xi32>
    %shift_right_logical3A_388 = arith.shrui %xor3A_381, %shift_right_logical3A_387 : vector<4x8192xi32>
    %or3A_389 = arith.ori %shift_left3A_385, %shift_right_logical3A_388 : vector<4x8192xi32>
    %xor3A_390 = arith.xori %add3A_382, %or3A_389 : vector<4x8192xi32>
    %add3A_391 = arith.addi %add3A_382, %xor3A_390 : vector<4x8192xi32>
    %shift_left3A_392 = arith.constant 24 : i32
    %shift_left3A_393 = vector.broadcast %shift_left3A_392 : i32 to vector<4x8192xi32>
    %shift_left3A_394 = arith.shli %xor3A_390, %shift_left3A_393 : vector<4x8192xi32>
    %shift_right_logical3A_395 = arith.constant 8 : i32
    %shift_right_logical3A_396 = vector.broadcast %shift_right_logical3A_395 : i32 to vector<4x8192xi32>
    %shift_right_logical3A_397 = arith.shrui %xor3A_390, %shift_right_logical3A_396 : vector<4x8192xi32>
    %or3A_398 = arith.ori %shift_left3A_394, %shift_right_logical3A_397 : vector<4x8192xi32>
    %xor3A_399 = arith.xori %add3A_391, %or3A_398 : vector<4x8192xi32>
    %add3A_400 = arith.constant 466688929 : i32
    %add3A_401 = vector.broadcast %add3A_400 : i32 to vector<4x8192xi32>
    %add3A_402 = arith.addi %add3A_391, %add3A_401 : vector<4x8192xi32>
    %add3A_403 = arith.constant 0 : i32
    %add3A_404 = vector.broadcast %add3A_403 : i32 to vector<4x8192xi32>
    %add3A_405 = arith.addi %xor3A_399, %add3A_404 : vector<4x8192xi32>
    %add3A_406 = arith.constant 2 : i32
    %add3A_407 = vector.broadcast %add3A_406 : i32 to vector<4x8192xi32>
    %add3A_408 = arith.addi %add3A_405, %add3A_407 : vector<4x8192xi32>
    %add3A_409 = arith.addi %add3A_402, %add3A_408 : vector<4x8192xi32>
    %shift_left3A_410 = arith.constant 13 : i32
    %shift_left3A_411 = vector.broadcast %shift_left3A_410 : i32 to vector<4x8192xi32>
    %shift_left3A_412 = arith.shli %add3A_408, %shift_left3A_411 : vector<4x8192xi32>
    %shift_right_logical3A_413 = arith.constant 19 : i32
    %shift_right_logical3A_414 = vector.broadcast %shift_right_logical3A_413 : i32 to vector<4x8192xi32>
    %shift_right_logical3A_415 = arith.shrui %add3A_408, %shift_right_logical3A_414 : vector<4x8192xi32>
    %or3A_416 = arith.ori %shift_left3A_412, %shift_right_logical3A_415 : vector<4x8192xi32>
    %xor3A_417 = arith.xori %add3A_409, %or3A_416 : vector<4x8192xi32>
    %add3A_418 = arith.addi %add3A_409, %xor3A_417 : vector<4x8192xi32>
    %shift_left3A_419 = arith.constant 15 : i32
    %shift_left3A_420 = vector.broadcast %shift_left3A_419 : i32 to vector<4x8192xi32>
    %shift_left3A_421 = arith.shli %xor3A_417, %shift_left3A_420 : vector<4x8192xi32>
    %shift_right_logical3A_422 = arith.constant 17 : i32
    %shift_right_logical3A_423 = vector.broadcast %shift_right_logical3A_422 : i32 to vector<4x8192xi32>
    %shift_right_logical3A_424 = arith.shrui %xor3A_417, %shift_right_logical3A_423 : vector<4x8192xi32>
    %or3A_425 = arith.ori %shift_left3A_421, %shift_right_logical3A_424 : vector<4x8192xi32>
    %xor3A_426 = arith.xori %add3A_418, %or3A_425 : vector<4x8192xi32>
    %add3A_427 = arith.addi %add3A_418, %xor3A_426 : vector<4x8192xi32>
    %shift_left3A_428 = arith.constant 26 : i32
    %shift_left3A_429 = vector.broadcast %shift_left3A_428 : i32 to vector<4x8192xi32>
    %shift_left3A_430 = arith.shli %xor3A_426, %shift_left3A_429 : vector<4x8192xi32>
    %shift_right_logical3A_431 = arith.constant 6 : i32
    %shift_right_logical3A_432 = vector.broadcast %shift_right_logical3A_431 : i32 to vector<4x8192xi32>
    %shift_right_logical3A_433 = arith.shrui %xor3A_426, %shift_right_logical3A_432 : vector<4x8192xi32>
    %or3A_434 = arith.ori %shift_left3A_430, %shift_right_logical3A_433 : vector<4x8192xi32>
    %xor3A_435 = arith.xori %add3A_427, %or3A_434 : vector<4x8192xi32>
    %add3A_436 = arith.addi %add3A_427, %xor3A_435 : vector<4x8192xi32>
    %shift_left3A_437 = arith.constant 6 : i32
    %shift_left3A_438 = vector.broadcast %shift_left3A_437 : i32 to vector<4x8192xi32>
    %shift_left3A_439 = arith.shli %xor3A_435, %shift_left3A_438 : vector<4x8192xi32>
    %shift_right_logical3A_440 = arith.constant 26 : i32
    %shift_right_logical3A_441 = vector.broadcast %shift_right_logical3A_440 : i32 to vector<4x8192xi32>
    %shift_right_logical3A_442 = arith.shrui %xor3A_435, %shift_right_logical3A_441 : vector<4x8192xi32>
    %or3A_443 = arith.ori %shift_left3A_439, %shift_right_logical3A_442 : vector<4x8192xi32>
    %xor3A_444 = arith.xori %add3A_436, %or3A_443 : vector<4x8192xi32>
    %add3A_445 = arith.constant 0 : i32
    %add3A_446 = vector.broadcast %add3A_445 : i32 to vector<4x8192xi32>
    %add3A_447 = arith.addi %add3A_436, %add3A_446 : vector<4x8192xi32>
    %add3A_448 = arith.constant 123 : i32
    %add3A_449 = vector.broadcast %add3A_448 : i32 to vector<4x8192xi32>
    %add3A_450 = arith.addi %xor3A_444, %add3A_449 : vector<4x8192xi32>
    %add3A_451 = arith.constant 3 : i32
    %add3A_452 = vector.broadcast %add3A_451 : i32 to vector<4x8192xi32>
    %add3A_453 = arith.addi %add3A_450, %add3A_452 : vector<4x8192xi32>
    %add3A_454 = arith.addi %add3A_447, %add3A_453 : vector<4x8192xi32>
    %shift_left3A_455 = arith.constant 17 : i32
    %shift_left3A_456 = vector.broadcast %shift_left3A_455 : i32 to vector<4x8192xi32>
    %shift_left3A_457 = arith.shli %add3A_453, %shift_left3A_456 : vector<4x8192xi32>
    %shift_right_logical3A_458 = arith.constant 15 : i32
    %shift_right_logical3A_459 = vector.broadcast %shift_right_logical3A_458 : i32 to vector<4x8192xi32>
    %shift_right_logical3A_460 = arith.shrui %add3A_453, %shift_right_logical3A_459 : vector<4x8192xi32>
    %or3A_461 = arith.ori %shift_left3A_457, %shift_right_logical3A_460 : vector<4x8192xi32>
    %xor3A_462 = arith.xori %add3A_454, %or3A_461 : vector<4x8192xi32>
    %add3A_463 = arith.addi %add3A_454, %xor3A_462 : vector<4x8192xi32>
    %shift_left3A_464 = arith.constant 29 : i32
    %shift_left3A_465 = vector.broadcast %shift_left3A_464 : i32 to vector<4x8192xi32>
    %shift_left3A_466 = arith.shli %xor3A_462, %shift_left3A_465 : vector<4x8192xi32>
    %shift_right_logical3A_467 = arith.constant 3 : i32
    %shift_right_logical3A_468 = vector.broadcast %shift_right_logical3A_467 : i32 to vector<4x8192xi32>
    %shift_right_logical3A_469 = arith.shrui %xor3A_462, %shift_right_logical3A_468 : vector<4x8192xi32>
    %or3A_470 = arith.ori %shift_left3A_466, %shift_right_logical3A_469 : vector<4x8192xi32>
    %xor3A_471 = arith.xori %add3A_463, %or3A_470 : vector<4x8192xi32>
    %add3A_472 = arith.addi %add3A_463, %xor3A_471 : vector<4x8192xi32>
    %shift_left3A_473 = arith.constant 16 : i32
    %shift_left3A_474 = vector.broadcast %shift_left3A_473 : i32 to vector<4x8192xi32>
    %shift_left3A_475 = arith.shli %xor3A_471, %shift_left3A_474 : vector<4x8192xi32>
    %shift_right_logical3A_476 = arith.constant 16 : i32
    %shift_right_logical3A_477 = vector.broadcast %shift_right_logical3A_476 : i32 to vector<4x8192xi32>
    %shift_right_logical3A_478 = arith.shrui %xor3A_471, %shift_right_logical3A_477 : vector<4x8192xi32>
    %or3A_479 = arith.ori %shift_left3A_475, %shift_right_logical3A_478 : vector<4x8192xi32>
    %xor3A_480 = arith.xori %add3A_472, %or3A_479 : vector<4x8192xi32>
    %add3A_481 = arith.addi %add3A_472, %xor3A_480 : vector<4x8192xi32>
    %shift_left3A_482 = arith.constant 24 : i32
    %shift_left3A_483 = vector.broadcast %shift_left3A_482 : i32 to vector<4x8192xi32>
    %shift_left3A_484 = arith.shli %xor3A_480, %shift_left3A_483 : vector<4x8192xi32>
    %shift_right_logical3A_485 = arith.constant 8 : i32
    %shift_right_logical3A_486 = vector.broadcast %shift_right_logical3A_485 : i32 to vector<4x8192xi32>
    %shift_right_logical3A_487 = arith.shrui %xor3A_480, %shift_right_logical3A_486 : vector<4x8192xi32>
    %or3A_488 = arith.ori %shift_left3A_484, %shift_right_logical3A_487 : vector<4x8192xi32>
    %xor3A_489 = arith.xori %add3A_481, %or3A_488 : vector<4x8192xi32>
    %add3A_490 = arith.constant 123 : i32
    %add3A_491 = vector.broadcast %add3A_490 : i32 to vector<4x8192xi32>
    %add3A_492 = arith.addi %add3A_481, %add3A_491 : vector<4x8192xi32>
    %add3A_493 = arith.constant 466688929 : i32
    %add3A_494 = vector.broadcast %add3A_493 : i32 to vector<4x8192xi32>
    %add3A_495 = arith.addi %xor3A_489, %add3A_494 : vector<4x8192xi32>
    %add3A_496 = arith.constant 4 : i32
    %add3A_497 = vector.broadcast %add3A_496 : i32 to vector<4x8192xi32>
    %add3A_498 = arith.addi %add3A_495, %add3A_497 : vector<4x8192xi32>
    %add3A_499 = arith.addi %add3A_492, %add3A_498 : vector<4x8192xi32>
    %shift_left3A_500 = arith.constant 13 : i32
    %shift_left3A_501 = vector.broadcast %shift_left3A_500 : i32 to vector<4x8192xi32>
    %shift_left3A_502 = arith.shli %add3A_498, %shift_left3A_501 : vector<4x8192xi32>
    %shift_right_logical3A_503 = arith.constant 19 : i32
    %shift_right_logical3A_504 = vector.broadcast %shift_right_logical3A_503 : i32 to vector<4x8192xi32>
    %shift_right_logical3A_505 = arith.shrui %add3A_498, %shift_right_logical3A_504 : vector<4x8192xi32>
    %or3A_506 = arith.ori %shift_left3A_502, %shift_right_logical3A_505 : vector<4x8192xi32>
    %xor3A_507 = arith.xori %add3A_499, %or3A_506 : vector<4x8192xi32>
    %add3A_508 = arith.addi %add3A_499, %xor3A_507 : vector<4x8192xi32>
    %shift_left3A_509 = arith.constant 15 : i32
    %shift_left3A_510 = vector.broadcast %shift_left3A_509 : i32 to vector<4x8192xi32>
    %shift_left3A_511 = arith.shli %xor3A_507, %shift_left3A_510 : vector<4x8192xi32>
    %shift_right_logical3A_512 = arith.constant 17 : i32
    %shift_right_logical3A_513 = vector.broadcast %shift_right_logical3A_512 : i32 to vector<4x8192xi32>
    %shift_right_logical3A_514 = arith.shrui %xor3A_507, %shift_right_logical3A_513 : vector<4x8192xi32>
    %or3A_515 = arith.ori %shift_left3A_511, %shift_right_logical3A_514 : vector<4x8192xi32>
    %xor3A_516 = arith.xori %add3A_508, %or3A_515 : vector<4x8192xi32>
    %add3A_517 = arith.addi %add3A_508, %xor3A_516 : vector<4x8192xi32>
    %shift_left3A_518 = arith.constant 26 : i32
    %shift_left3A_519 = vector.broadcast %shift_left3A_518 : i32 to vector<4x8192xi32>
    %shift_left3A_520 = arith.shli %xor3A_516, %shift_left3A_519 : vector<4x8192xi32>
    %shift_right_logical3A_521 = arith.constant 6 : i32
    %shift_right_logical3A_522 = vector.broadcast %shift_right_logical3A_521 : i32 to vector<4x8192xi32>
    %shift_right_logical3A_523 = arith.shrui %xor3A_516, %shift_right_logical3A_522 : vector<4x8192xi32>
    %or3A_524 = arith.ori %shift_left3A_520, %shift_right_logical3A_523 : vector<4x8192xi32>
    %xor3A_525 = arith.xori %add3A_517, %or3A_524 : vector<4x8192xi32>
    %add3A_526 = arith.addi %add3A_517, %xor3A_525 : vector<4x8192xi32>
    %shift_left3A_527 = arith.constant 6 : i32
    %shift_left3A_528 = vector.broadcast %shift_left3A_527 : i32 to vector<4x8192xi32>
    %shift_left3A_529 = arith.shli %xor3A_525, %shift_left3A_528 : vector<4x8192xi32>
    %shift_right_logical3A_530 = arith.constant 26 : i32
    %shift_right_logical3A_531 = vector.broadcast %shift_right_logical3A_530 : i32 to vector<4x8192xi32>
    %shift_right_logical3A_532 = arith.shrui %xor3A_525, %shift_right_logical3A_531 : vector<4x8192xi32>
    %or3A_533 = arith.ori %shift_left3A_529, %shift_right_logical3A_532 : vector<4x8192xi32>
    %xor3A_534 = arith.xori %add3A_526, %or3A_533 : vector<4x8192xi32>
    %add3A_535 = arith.constant 466688929 : i32
    %add3A_536 = vector.broadcast %add3A_535 : i32 to vector<4x8192xi32>
    %add3A_537 = arith.addi %add3A_526, %add3A_536 : vector<4x8192xi32>
    %add3A_538 = arith.constant 0 : i32
    %add3A_539 = vector.broadcast %add3A_538 : i32 to vector<4x8192xi32>
    %add3A_540 = arith.addi %xor3A_534, %add3A_539 : vector<4x8192xi32>
    %add3A_541 = arith.constant 5 : i32
    %add3A_542 = vector.broadcast %add3A_541 : i32 to vector<4x8192xi32>
    %add3A_543 = arith.addi %add3A_540, %add3A_542 : vector<4x8192xi32>
    %xor3A_544 = arith.xori %add3A_537, %add3A_543 : vector<4x8192xi32>
    %shift_right_logical3A_545 = arith.constant 9 : i32
    %shift_right_logical3A_546 = vector.broadcast %shift_right_logical3A_545 : i32 to vector<4x8192xi32>
    %shift_right_logical3A_547 = arith.shrui %xor3A_544, %shift_right_logical3A_546 : vector<4x8192xi32>
    %or3A_548 = arith.constant 1065353216 : i32
    %or3A_549 = vector.broadcast %or3A_548 : i32 to vector<4x8192xi32>
    %or3A_550 = arith.ori %shift_right_logical3A_547, %or3A_549 : vector<4x8192xi32>
    %bitcast_convert_type3A_551 = tpu.bitcast %or3A_550 : vector<4x8192xi32> -> vector<4x8192xf32>
    %sub3A_552 = arith.constant 1.000000e+00 : f32
    %sub3A_553 = vector.broadcast %sub3A_552 : f32 to vector<4x8192xf32>
    %sub3A_554 = arith.subf %bitcast_convert_type3A_551, %sub3A_553 : vector<4x8192xf32>
    %add3A_555 = arith.constant 9.99999974E-6 : f32
    %add3A_556 = vector.broadcast %add3A_555 : f32 to vector<4x8192xf32>
    %add3A_557 = arith.addf %sub3A_554, %add3A_556 : vector<4x8192xf32>
    %log3A_558 = math.log %add3A_557 : vector<4x8192xf32>
    %neg3A_559 = arith.constant 0.000000e+00 : f32
    %neg3A_560 = vector.broadcast %neg3A_559 : f32 to vector<4x8192xf32>
    %neg3A_561 = arith.subf %neg3A_560, %log3A_558 : vector<4x8192xf32>
    %add3A_562 = arith.constant 9.99999974E-6 : f32
    %add3A_563 = vector.broadcast %add3A_562 : f32 to vector<4x8192xf32>
    %add3A_564 = arith.addf %neg3A_561, %add3A_563 : vector<4x8192xf32>
    %log3A_565 = math.log %add3A_564 : vector<4x8192xf32>
    %neg3A_566 = arith.constant 0.000000e+00 : f32
    %neg3A_567 = vector.broadcast %neg3A_566 : f32 to vector<4x8192xf32>
    %neg3A_568 = arith.subf %neg3A_567, %log3A_565 : vector<4x8192xf32>
    %swap3A_569 = arith.constant 0 : index
    %swap3A_570 = arith.constant 0 : index
    %swap3A_571 = vector.load %arg8[%swap3A_569, %swap3A_570] : memref<4x8192xf32, #tpu.memory_space<vmem>>, vector<4x8192xf32>
    tpu.vector_store %arg8[%swap3A_569, %swap3A_570], %neg3A_568 {strides = array<i32>} : memref<4x8192xf32, #tpu.memory_space<vmem>>, vector<4x8192xf32>,
    return
  }
}

</mosaic_0001>

<sc_bundles>
// kernel: kernel.4.cloned.1.call-start
scs
__scs_entry_jumppad:
0x0: {  	(pc) =	sbr.rel $0x88, $3  }
0x1: {  	(tag) =	ssettag $0x0;
	lr =	simm.s32 $0x1  }
0x2: {  	[smem:$0x3F99] =	sst lr;
	_ =	strace $0xD0000000  }
0x3: {  	_ = 	snop  }
0x4: {  	_ = 	snop  }
0x5: {  	_ = 	snop  }
0x6: {  	_ = 	snop  }
0x7: {  	_ = 	snop  }
__scs_overlays_trampoline_lowered:
0x8: {  	[smem:$0x3FA8] =	sst s0  }
0x9: {  	[smem:$0x3FA9] =	sst s1  }
0xa: {  	[smem:$0x3FAA] =	sst s2  }
0xb: {  	[smem:$0x3FAB] =	sst s3  }
0xc: {  	[smem:$0x3FAC] =	sst s4  }
0xd: {  	[smem:$0x3FAD] =	sst s5  }
0xe: {  	[smem:$0x3FAE] =	sst s6  }
0xf: {  	[smem:$0x3FAF] =	sst s7  }
0x10: {  	[smem:$0x3FB0] =	sst s8  }
0x11: {  	[smem:$0x3FB1] =	sst s9;
	s0 =	simm.s32 @!p0 $0x0  }
0x12: {  	s1 =	sld [smem:$0x3F97];
	s0 =	simm.s32 @p0 $0x1  }
0x13: {  	[smem:$0x3FB2] =	sst s0;
	s0 =	simm.s32 @!p1 $0x0  }
0x14: {  	s2 =	sld [smem:$0x3F96];
	s0 =	simm.s32 @p1 $0x1  }
0x15: {  	[smem:$0x3FB3] =	sst s0;
	s0 =	simm.s32 @!p2 $0x0  }
0x16: {  	s3 =	sld [smem:$0x3FDB];
	s0 =	simm.s32 @p2 $0x1  }
0x17: {  	s4 =	simm.s32 $0x1BF5;
	[smem:$0x3FB5] =	sst s0  }
0x18: {  	s0 =	sld [smem:$0x3F98];
	_ =	swait.ge [sflag:s4], $0x0  }
0x19: {  	s7 =	sld [smem:$0x3F99]  }
0x1a: {  	s8 =	sadd.s32 $0xFFFFE003, lr  }
0x1b: {  	s9 =	sadd.s32 $0xFFFFFEF7, lr;
	s5 =	simm.s32 $0xFFFFFFFF;
	p2 =	slt.u32 s8, $0xFFFFF086  }
0x1c: {  	p1 =	slt.u32 s9, $0xF7A;
	s5 =	simm.s32 @!p2 $0x0  }
0x1d: {  	s5 =	simm.s32 @p1 $0x1;
	p0 =	seq.s32 s7, s2  }
0x1e: {  	s7 =	smul.u32 @!p0 $0xF7A, s2;
	p2 =	seq.s32 @!p0 s5, $0x0  }
0x1f: {  	s9 =	smul.u32 $0xF7A, s1;
	s8 =	simm.s32 @!p0 $0x1BF5;
	p2 =	por !p2, p0  }
0x20: {  	[sflag:s8] =	ssyncset.s32 @!p0 $0xFFFFF086;
	s6 =	sadd.s32 @!p0 s3, s7;
	s7 =	simm.s32 @!p0 $0x108  }
0x21: {  	s3 =	sadd.s32 s3, s9;
	s6 =	sadd.s32 @!p0 $0x88, s6;
	s7 =	simm.s32 @p2 $0x1082  }
0x22: {  	[simem:s7], [sflag:s8] =	dma.local @!p0 [hbm:s6], $0xF7A  }
0x23: {  	s9 =	sor.u32 $0xD0000000, s2;
	s6 =	simm.s32 $0x108;
	_ =	swait.ge @!p0 [sflag:s8], $0x0  }
0x24: {  	s3 =	sadd.s32 $0x88, s3;
	s6 =	simm.s32 @!p1 $0x1082;
	[sflag:s4] =	ssyncset.s32 $0xFFFFF086  }
0x25: {  	[simem:s6], [sflag:s4] =	dma.local [hbm:s3], $0xF7A  }
0x26: {  	[smem:$0x3F99] =	sst s1;
	(tag) =	ssettag s2;
	_ =	strace s9  }
0x27: {  	s1 =	sld [smem:$0x3FA9]  }
0x28: {  	s2 =	sld [smem:$0x3FAA]  }
0x29: {  	s4 =	sld [smem:$0x3FAC]  }
0x2a: {  	p0 =	seq.s32 s5, $0x0;
	s5 =	sld [smem:$0x3FAD]  }
0x2b: {  	s6 =	sld [smem:$0x3FAE]  }
0x2c: {  	s7 =	sld [smem:$0x3FAF]  }
0x2d: {  	s3 =	simm.s32 $0x108;
	s8 =	sld [smem:$0x3FB0]  }
0x2e: {  	s3 =	simm.s32 @!p0 $0x1082;
	s9 =	sld [smem:$0x3FB1]  }
0x2f: {  	lr =	sadd.s32 s0, s3;
	s0 =	sld [smem:$0x3FA8]  }
0x30: {  	s3 =	sld [smem:$0x3FAB]  }
0x31: {  	[smem:$0x3FB4] =	sst s10  }
0x32: {  	s10 =	sld [smem:$0x3FB2];
	_ =	sdelay $0x3  }
0x33: {  	p0 =	seq.s32 s10, $0x1;
	s10 =	sld [smem:$0x3FB4];
	_ =	sdelay $0x3  }
0x34: {  	[smem:$0x3FB4] =	sst s10  }
0x35: {  	s10 =	sld [smem:$0x3FB3];
	_ =	sdelay $0x3  }
0x36: {  	p1 =	seq.s32 s10, $0x1;
	s10 =	sld [smem:$0x3FB4];
	_ =	sdelay $0x3  }
0x37: {  	[smem:$0x3FB4] =	sst s10  }
0x38: {  	s10 =	sld [smem:$0x3FB5]  }
0x39: {  	_ = 	snop;
	(pc) =	sbr.ind lr, $3  }
0x3a: {  	_ = 	snop  }
0x3b: {  	_ = 	snop  }
0x3c: {  	p2 =	seq.s32 s10, $0x1;
	s10 =	sld [smem:$0x3FB4]  }
0x3d: {  	_ =	shalt  }
0x3e: {  	_ =	shalt  }
0x3f: {  	_ =	shalt  }
0x40: {  	_ =	shalt  }
0x41: {  	_ =	shalt  }
0x42: {  	_ =	shalt  }
0x43: {  	_ =	shalt  }
0x44: {  	_ =	shalt  }
0x45: {  	_ =	shalt  }
0x46: {  	_ =	shalt  }
0x47: {  	_ =	shalt  }
0x48: {  	_ =	shalt  }
0x49: {  	_ =	shalt  }
0x4a: {  	_ =	shalt  }
0x4b: {  	_ =	shalt  }
0x4c: {  	_ =	shalt  }
0x4d: {  	_ =	shalt  }
0x4e: {  	_ =	shalt  }
0x4f: {  	_ =	shalt  }
0x50: {  	_ =	shalt  }
0x51: {  	_ =	shalt  }
0x52: {  	_ =	shalt  }
0x53: {  	_ =	shalt  }
0x54: {  	_ =	shalt  }
0x55: {  	_ =	shalt  }
0x56: {  	_ =	shalt  }
0x57: {  	_ =	shalt  }
0x58: {  	_ =	shalt  }
0x59: {  	_ =	shalt  }
0x5a: {  	_ =	shalt  }
0x5b: {  	_ =	shalt  }
0x5c: {  	_ =	shalt  }
0x5d: {  	_ =	shalt  }
0x5e: {  	_ =	shalt  }
0x5f: {  	_ =	shalt  }
0x60: {  	_ =	shalt  }
0x61: {  	_ =	shalt  }
0x62: {  	_ =	shalt  }
0x63: {  	_ =	shalt  }
0x64: {  	_ =	shalt  }
0x65: {  	_ =	shalt  }
0x66: {  	_ =	shalt  }
0x67: {  	_ =	shalt  }
0x68: {  	_ =	shalt  }
0x69: {  	_ =	shalt  }
0x6a: {  	_ =	shalt  }
0x6b: {  	_ =	shalt  }
0x6c: {  	_ =	shalt  }
0x6d: {  	_ =	shalt  }
0x6e: {  	_ =	shalt  }
0x6f: {  	_ =	shalt  }
0x70: {  	_ =	shalt  }
0x71: {  	_ =	shalt  }
0x72: {  	_ =	shalt  }
0x73: {  	_ =	shalt  }
0x74: {  	_ =	shalt  }
0x75: {  	_ =	shalt  }
0x76: {  	_ =	shalt  }
0x77: {  	_ =	shalt  }
0x78: {  	_ =	shalt  }
0x79: {  	_ =	shalt  }
0x7a: {  	_ =	shalt  }
0x7b: {  	_ =	shalt  }
0x7c: {  	_ =	shalt  }
0x7d: {  	_ =	shalt  }
0x7e: {  	_ =	shalt  }
0x7f: {  	_ =	shalt  }
0x80: {  	_ =	shalt  }
0x81: {  	_ =	shalt  }
0x82: {  	_ =	shalt  }
0x83: {  	_ =	shalt  }
0x84: {  	_ =	shalt  }
0x85: {  	_ =	shalt  }
0x86: {  	_ =	shalt  }
0x87: {  	_ =	shalt  }
.Lfunc_end0:
.L_simem_size_0:
called_computation_lowered:
.L_overlay_start_0:
0x88: {  	s0 =	sld [smem:$0x3FD9]  }
0x89: {  	s1 =	sld [smem:$0x3FFE];
	_ =	sdelay $0x3  }
0x8a: {  	s0 =	sadd.s32 s1, s0  }
0x8b: {  	[smem:$0x3FC0] =	sst s0  }
0x8c: {  	_ = 	snop  }
0x8d: {  	s0 =	sld [smem:$0x3FD0];
	_ =	sdelay $0x1  }
0x8e: {  	s13 =	sld [smem:$0x3FC9]  }
0x8f: {  	s3 =	simm.s32 $0xA;
	s4 =	simm.s32 $0x10;
	s2 =	sld [smem:$0x3FC8]  }
0x90: {  	[smem:s4], [sflag:s3] =	dma.local [hbm:s0], $0x1  }
0x91: {  	_ =	swait.eq [sflag:s3], $0x1  }
0x92: {  	[sflag:s3] =	ssyncset.done $0x0  }
0x93: {  	s14 =	sld [smem:$0x10];
	[sflag:s3] =	ssyncadd.s32 $0xFFFFFFFF  }
0x94: {  	s15 =	sld [smem:$0x11];
	(tm) =	ssettm $0x1  }
0x95: {  	s16 =	sld [smem:$0x3FFB];
	_ =	sdelay $0x3  }
0x96: {  	_ =	strace s16  }
0x97: {  	s4 =	sld [smem:$0x3FFC];
	_ =	sdelay $0x3  }
0x98: {  	_ =	strace s4  }
0x99: {  	s4 =	sld [smem:$0x3FFD];
	_ =	sdelay $0x3  }
0x9a: {  	_ =	strace s4  }
0x9b: {  	_ =	strace $0x8FFFFFFF  }
0x9c: {  	s17 =	sld [smem:$0x3FDB];
	_ =	sdelay $0x1  }
0x9d: {  	s5 =	simm.s32 $_scs_section_size  }
0x9e: {  	s6 =	simm.s32 $_size__tile_overlayer_lowered;
	s7 =	simm.s32 $_tile_overlayer_lowered  }
0x9f: {  	s20 =	simm.s32 $0x1BFF;
	s19 =	sshll.u32 s7, $0x1;
	s4 =	sadd.s32 s5, s17  }
0xa0: {  	s8 =	simm.s32 $0x0;
	s18 =	sshll.u32 s6, $0x1;
	s6 =	sadd.s32 s19, s4  }
0xa1: {  	[timem:s8], [sflag:s20] =	dma.local [hbm:s6], s18  }
0xa2: {  	_ =	swait.ge [sflag:s20], s18  }
0xa3: {  	s5 =	ssub.s32 $0x0, s18;
	[sflag:s20] =	ssyncset.done $0x0  }
0xa4: {  	[sflag:s20] =	ssyncadd.s32 s5;
	_ =	sdelay $0x1  }
0xa5: {  	s21 =	simm.s32 $0x1B8B  }
0xa6: {  	_ =	swait.ge [sflag:s21], $0x1  }
0xa7: {  	[sflag:s21] =	ssyncset.done $0x0  }
0xa8: {  	s23 =	simm.s32 $0x1B8E;
	s22 =	sld [smem:$0x3FFE];
	[sflag:s21] =	ssyncadd.s32 $0xFFFFFFFF  }
0xa9: {  	s24 =	simm.s32 $execute0_lowered;
	[smem:$0x3FD2] =	sst s23  }
0xaa: {  	s6 =	sshll.u32 s24, $0x1;
	_ =	strace $0x80000046;
	[dreg:$0x1] =	wrdreg $0xFFFFFFFF  }
0xab: {  	s25 =	simm.s32 $_size_execute0_lowered;
	s4 =	sadd.s32 s4, s6;
	[dreg:$0x0] =	wrdreg $0x0  }
0xac: {  	s6 =	sshll.u32 s25, $0x1;
	[dreg:$0x2] =	wrdreg s4  }
0xad: {  	[dreg:$0x3] =	wrdreg s6  }
0xae: {  	[dreg:$0x4] =	wrdreg $0xC0  }
0xaf: {  	_ =	task [dreg:s8], $0x5FFFF  }
0xb0: {  	[dreg:$0x1] =	wrdreg $0xFFFFFFFF  }
0xb1: {  	[dreg:$0x0] =	wrdreg $0x60  }
0xb2: {  	[dreg:$0x2] =	wrdreg s13  }
0xb3: {  	[dreg:$0x3] =	wrdreg s2  }
0xb4: {  	[dreg:$0x4] =	wrdreg s22  }
0xb5: {  	[dreg:$0x5] =	wrdreg s14  }
0xb6: {  	[dreg:$0x6] =	wrdreg s15  }
0xb7: {  	[dreg:$0x7] =	wrdreg $0x9  }
0xb8: {  	_ =	task.clear_ibuf [dreg:s8], $0x8FFFF;
	_ =	strace $0x90000046  }
0xb9: {  	s26 =	simm.s32 $0x9;
	_ =	strace $0x80000048  }
0xba: {  	_ =	swait.ge [sflag:s26], $0x1  }
0xbb: {  	[sflag:s26] =	ssyncadd.s32 $0xFFFFFFFF  }
0xbc: {  	_ =	strace $0x90000048  }
0xbd: {  	_ =	sfence  }
0xbe: {  	s28 =	sld [smem:$0x0];
	_ =	sdelay $0x1  }
0xbf: {  	s29 =	srdreg.scid  }
0xc0: {  	s30 =	sshll.u32 s29, $0xD;
	s31 =	sshrl.u32 s29, $0x2  }
0xc1: {  	s1 =	sand.u32 $0x1, s29;
	s2 =	sand.u32 $0x4000, s30;
	s0 =	sadd.s32 s31, s28  }
0xc2: {  	s1 =	sor.u32 s2, s1;
	s0 =	sshll.u32 s0, $0x11  }
0xc3: {  	s0 =	sor.u32 s0, s1  }
0xc4: {  	s0 =	sadd.s32 $0x8F2B, s0  }
0xc5: {  	[sflag:s0] =	ssyncadd.remote.s32 $0x1  }
0xc6: {  	_ =	sfence.sel $0xFFFF  }
0xc7: {  	[dreg:$0x0] =	wrdreg $0xFFFFFFFF;
	(pc) =	sbr.abs _section_cstart, $3  }
0xc8: {  	[dreg:$0x1] =	wrdreg $0xFFFFFFFF  }
0xc9: {  	_ =	task.clear_ibuf [dreg:s8], $0x2FFFF;
	_ =	strace $0x9FFFFFFF  }
0xca: {  	(tm) =	ssettm $0x7FFFFFFF  }
0xcb: {  	_ =	shalt  }
tec
execute0_lowered:
.L_overlay_start_1:
0x0: {  	(tag) =	ssettag $0x1  }
0x1: {  	s6 =	rddreg [dreg:$0x0]  }
0x2: {  	s7 =	rddreg [dreg:$0x1]  }
0x3: {  	s9 =	rddreg [dreg:$0x2]  }
0x4: {  	s3 =	rddreg [dreg:$0x3]  }
0x5: {  	s2 =	rddreg [dreg:$0x4];
	s1 =	stileid.u32  }
0x6: {  	s0 =	rddreg [dreg:$0x5];
	s4 =	sshrl.u32 s1, $0x2;
	s5 =	sand.u32 $0x3, s1  }
0x7: {  	s8 =	simm.s32 $0x0;
	s10 =	sshll.u32 s5, $0xA;
	s11 =	sshll.u32 s4, $0x4  }
0x8: {  	s25 =	simm.s32 $0x80;
	[smem:$0x7FF] =	sst s8;
	s10 =	sor.u32 s11, s10  }
0x9: {  	s12 =	simm.s32 $0x200;
	_ =	strace $0x80000047;
	s6 =	sadd.s32 s6, s10  }
0xa: {  	[tilespmem:s8], [sflag:$0x1] =	stream.strided.gather [hbm4b:s6+s25], $0x800, s12, s25, $0x38;
	[tilespmem:$0x5000] =	vst v63  }
0xb: {  	s28 =	simm.s32 $0x800;
	s26 =	sadd.s32 s10, s9;
	s7 =	sadd.s32 s7, s10  }
0xc: {  	[tilespmem:s28], [sflag:$0x1] =	stream.strided.gather [hbm4b:s7+s25], $0x800, s12, s25, $0x38;
	[tilespmem:$0x5000] =	vst v63  }
0xd: {  	s13 =	simm.s32 $0x1000;
	s29 =	sadd.s32 $0x1C00, s26  }
0xe: {  	[tilespmem:s13], [sflag:$0x1] =	stream.strided.gather [hbm4b:s29+s25], $0x800, s12, s25, $0x38;
	[tilespmem:$0x5000] =	vst v63  }
0xf: {  	s14 =	simm.s32 $0x1800;
	s6 =	sadd.s32 $0x2C00, s26  }
0x10: {  	[tilespmem:s14], [sflag:$0x1] =	stream.strided.gather [hbm4b:s6+s25], $0x800, s12, s25, $0x38;
	[tilespmem:$0x5000] =	vst v63  }
0x11: {  	s31 =	simm.s32 $0x100;
	s30 =	sadd.s32 $0x3C00, s9;
	s6 =	simm.s32 $0x2000  }
0x12: {  	[tilespmem:s6], [sflag:$0x1] =	stream.strided.gather [hbm4b:s30+s25], $0x800, s31, s25, $0x38;
	[tilespmem:$0x5000] =	vst v63  }
0x13: {  	s15 =	simm.s32 $0x1;
	s9 =	sadd.s32 $0x3C10, s9;
	s7 =	simm.s32 $0x2800  }
0x14: {  	[tilespmem:s7], [sflag:$0x1] =	stream.strided.gather [hbm4b:s9+s25], $0x800, s31, s25, $0x38;
	[tilespmem:$0x5000] =	vst v63  }
0x15: {  	_ =	swait.ge [sflag:s15], $0x800  }
0x16: {  	[sflag:s15] =	ssyncset.done $0x0  }
0x17: {  	[sflag:s15] =	ssyncadd.s32 $0xFFFFF800  }
0x18: {  	_ =	swait.ge [sflag:s15], $0x800  }
0x19: {  	[sflag:s15] =	ssyncset.done $0x0  }
0x1a: {  	[sflag:s15] =	ssyncadd.s32 $0xFFFFF800  }
0x1b: {  	_ =	swait.ge [sflag:s15], $0x800  }
0x1c: {  	[sflag:s15] =	ssyncset.done $0x0  }
0x1d: {  	[sflag:s15] =	ssyncadd.s32 $0xFFFFF800  }
0x1e: {  	_ =	swait.ge [sflag:s15], $0x800  }
0x1f: {  	[sflag:s15] =	ssyncset.done $0x0  }
0x20: {  	[sflag:s15] =	ssyncadd.s32 $0xFFFFF800  }
0x21: {  	_ =	swait.ge [sflag:s15], $0x800  }
0x22: {  	[sflag:s15] =	ssyncset.done $0x0  }
0x23: {  	[sflag:s15] =	ssyncadd.s32 $0xFFFFF800  }
0x24: {  	_ =	swait.ge [sflag:s15], $0x800  }
0x25: {  	[sflag:s15] =	ssyncset.done $0x0  }
0x26: {  	[sflag:s15] =	ssyncadd.s32 $0xFFFFF800  }
0x27: {  	v0 =	vld [tilespmem:s28+$0x0]  }
0x28: {  	v1 =	vld [tilespmem:s8+$0x0];
	_ =	sdelay $0x2  }
0x29: {  	s16 =	simm.s32 $0x810  }
0x2a: {  	s17 =	simm.s32 $0x10;
	v2 =	vld [tilespmem:s16+$0x0]  }
0x2b: {  	v0 =	vsub.s32 v0, v1;
	v1 =	vld [tilespmem:s17+$0x0]  }
0x2c: {  	v4 =	vld [tilespmem:s14+$0x0];
	v0 =	vadd.s32 $0x3E7, v0  }
0x2d: {  	s18 =	simm.s32 $0x820;
	v7 =	vld [tilespmem:s13+$0x0]  }
0x2e: {  	s19 =	simm.s32 $0x20;
	v8 =	vld [tilespmem:s18+$0x0]  }
0x2f: {  	s20 =	simm.s32 $0x1810;
	v10 =	vld [tilespmem:s19+$0x0]  }
0x30: {  	v3 =	vld [tilespmem:s20+$0x0];
	v1 =	vsub.s32 v2, v1  }
0x31: {  	v11 =	vld.idx.msk [tilespmem:v0+s7+$0x0], $0xffff;
	v1 =	vadd.s32 $0x3E7, v1  }
0x32: {  	s21 =	simm.s32 $0x0;
	s23 =	simm.s32 $0x1010;
	s22 =	sand.u32 $0xF00, s8;
	v12 =	vld.idx.msk [tilespmem:v0+s6+$0x0], $0xffff  }
0x33: {  	s24 =	sand.u32 $0x70, s21;
	s26 =	simm.s32 $0x830;
	s29 =	simm.s32 $0x30;
	v5 =	vld [tilespmem:s23+$0x0]  }
0x34: {  	s30 =	simm.s32 $0x40;
	s25 =	simm.s32 $0x20;
	s31 =	simm.s32 $0x20;
	v9 =	vld [tilespmem:s26+$0x0]  }
0x35: {  	s12 =	sand.u32 $0xF00, s25;
	s10 =	sand.u32 $0x70, s31;
	s15 =	simm.s32 $0x30;
	v6 =	vld [tilespmem:s29+$0x0]  }
0x36: {  	s28 =	simm.s32 $0x10;
	s8 =	sand.u32 $0xF00, s30;
	s13 =	sor.u32 s24, s22;
	v2 =	vld.idx.msk [tilespmem:v1+s7+$0x0], $0xffff  }
0x37: {  	s14 =	simm.s32 $0x1820;
	s9 =	sand.u32 $0x70, s15;
	s17 =	simm.s32 $0x60;
	v13 =	vadd.f32 v4, v11;
	v1 =	vld.idx.msk [tilespmem:v1+s6+$0x0], $0xffff;
	v14 =	vadd.f32 v7, v12;
	v7 =	vsub.s32 v8, v10  }
0x38: {  	s18 =	simm.s32 $0x80;
	s11 =	sand.u32 $0xF00, s17;
	s17 =	simm.s32 $0x1020;
	[tilespmem:s13+$0x4080] =	vst v11;
	v4 =	vld [tilespmem:s14+$0x0];
	v8 =	vadd.s32 $0x3E7, v7  }
0x39: {  	s19 =	simm.s32 $0x40;
	s20 =	simm.s32 $0x840;
	s16 =	sand.u32 $0x70, s28;
	v0 =	vimm.f32 $0.0e+00;
	[tilespmem:s13+$0x4000] =	vst v12;
	v7 =	vld [tilespmem:s17+$0x0];
	vm0 =	vgt.f32 v13, v14  }
.LBB2_1:
0x3a: {  	s15 =	sadd.s32 $0x10, s15  }
0x3b: {  	v10 =	vld [tilespmem:s20+$0x0];
	s21 =	sand.u32 $0xF00, s18;
	v11 =	vsel vm0, $0x3F800000, v0;
	v12 =	vmov v6;
	s22 =	smov.u32 s13;
	p0 =	slt.u32 s15, $0x7F0  }
.Ltmp0:
0x3c: {  	s13 =	sor.u32 s16, s12;
	s23 =	sand.u32 $0x70, s15;
	v6 =	vld [tilespmem:s19+$0x0];
	v14 =	vsub.f32 $1.000000000e+00, v11;
	[tilespmem:s22+$0x3080] =	vst v11;
	(pc) =	sbr.rel @p0 .LBB2_1-.Ltmp0, $4  }
0x3d: {  	s12 =	smov.u32 s8;
	s8 =	smov.u32 s11;
	v9 =	vsub.s32 v9, v12;
	v11 =	vadd.f32 v3, v2;
	[tilespmem:s13+$0x4080] =	vst v2;
	v2 =	vld.idx.msk [tilespmem:v8+s7+$0x0], $0xffff  }
0x3e: {  	s14 =	sadd.s32 $0x10, s14;
	s16 =	smov.u32 s10;
	s11 =	smov.u32 s21;
	v12 =	vadd.f32 v5, v1;
	v13 =	vmovc v1;
	[tilespmem:s22+$0x3000] =	vst v14;
	v1 =	vld.idx.msk [tilespmem:v8+s6+$0x0], $0xffff;
	v8 =	vadd.s32 $0x3E7, v9;
	v3 =	vmov v4  }
0x3f: {  	s17 =	sadd.s32 $0x10, s17;
	s10 =	smov.u32 s9;
	s9 =	smov.u32 s23;
	v4 =	vld [tilespmem:s14+$0x0];
	[tilespmem:s13+$0x4000] =	vst v13;
	v5 =	vmov v7  }
0x40: {  	s18 =	sadd.s32 $0x20, s18;
	s20 =	sadd.s32 $0x10, s20;
	s19 =	sadd.s32 $0x10, s19;
	vm0 =	vgt.f32 v11, v12;
	v7 =	vld [tilespmem:s17+$0x0];
	v9 =	vmov v10  }
0x41: {  	_ =	sdelay $0x1  }
0x42: {  	v6 =	vsub.s32 v9, v6  }
0x43: {  	v6 =	vadd.s32 $0x3E7, v6  }
0x44: {  	v50 =	vld.idx.msk [tilespmem:v8+s7+$0x0], $0xffff  }
0x45: {  	v51 =	vld.idx.msk [tilespmem:v8+s6+$0x0], $0xffff;
	s14 =	sadd.s32 $0x10, s14  }
0x46: {  	v10 =	vsel vm0, $0x3F800000, v0;
	s24 =	sadd.s32 $0x10, s17;
	v11 =	vld [tilespmem:s14+$0x0]  }
0x47: {  	s12 =	sor.u32 s16, s12;
	v3 =	vadd.f32 v3, v2;
	[tilespmem:s13+$0x3080] =	vst v10;
	v52 =	vld [tilespmem:s24+$0x0]  }
0x48: {  	v12 =	vsub.f32 $1.000000000e+00, v10;
	[tilespmem:s12+$0x4080] =	vst v2;
	v5 =	vadd.f32 v5, v1;
	v53 =	vld.idx.msk [tilespmem:v6+s7+$0x0], $0xffff  }
0x49: {  	[tilespmem:s12+$0x4000] =	vst v1;
	v54 =	vld.idx.msk [tilespmem:v6+s6+$0x0], $0xffff  }
0x4a: {  	s25 =	sor.u32 s10, s8;
	[tilespmem:s13+$0x3000] =	vst v12;
	vm13 =	vgt.f32 v3, v5  }
0x4b: {  	v3 =	vsel vm13, $0x3F800000, v0;
	v56 =	vadd.f32 v4, v50;
	v57 =	vadd.f32 v7, v51;
	[tilespmem:s25+$0x4080] =	vst v50  }
0x4c: {  	[tilespmem:s25+$0x4000] =	vst v51;
	v55 =	vsub.f32 $1.000000000e+00, v3  }
0x4d: {  	[tilespmem:s12+$0x3080] =	vst v3;
	vm14 =	vgt.f32 v56, v57  }
0x4e: {  	[tilespmem:s12+$0x3000] =	vst v55;
	v58 =	vsel vm14, $0x3F800000, v0;
	v59 =	vadd.f32 v11, v53;
	v60 =	vadd.f32 v52, v54  }
0x4f: {  	s26 =	sor.u32 s9, s11;
	v61 =	vsub.f32 $1.000000000e+00, v58;
	[tilespmem:s25+$0x3080] =	vst v58  }
0x50: {  	[tilespmem:s26+$0x4080] =	vst v53;
	vm15 =	vgt.f32 v59, v60  }
0x51: {  	[tilespmem:s25+$0x3000] =	vst v61;
	v62 =	vsel vm15, $0x3F800000, v0  }
0x52: {  	s5 =	sshll.u32 s5, $0x9;
	s4 =	sshll.u32 s4, $0xB;
	[tilespmem:s26+$0x4000] =	vst v54;
	v63 =	vsub.f32 $1.000000000e+00, v62  }
0x53: {  	s4 =	sor.u32 s5, s4;
	[tilespmem:s26+$0x3080] =	vst v62  }
0x54: {  	s28 =	simm.s32 $0x0;
	s29 =	simm.s32 $0x3000;
	s3 =	sadd.s32 s3, s4;
	[tilespmem:s26+$0x3000] =	vst v63  }
0x55: {  	[hbm4b:s3+s28] =	stream.linear.scatter [tilespmem:s29], [sflag:$0x1], $0x1000, $0x38;
	[tilespmem:$0x5000] =	vst v63  }
0x56: {  	s30 =	simm.s32 $0x4000;
	s31 =	simm.s32 $0x1;
	s2 =	sadd.s32 s2, s4  }
0x57: {  	[hbm4b:s2+s28] =	stream.linear.scatter [tilespmem:s30], [sflag:$0x1], $0x1000, $0x38;
	[tilespmem:$0x5000] =	vst v63  }
0x58: {  	_ =	swait.ge [sflag:s31], $0x1000  }
0x59: {  	[sflag:s31] =	ssyncset.done $0x0  }
0x5a: {  	[sflag:s31] =	ssyncadd.s32 $0xFFFFF000  }
0x5b: {  	_ =	swait.ge [sflag:s31], $0x1000  }
0x5c: {  	[sflag:s31] =	ssyncset.done $0x0  }
0x5d: {  	[sflag:s31] =	ssyncadd.s32 $0xFFFFF000  }
0x5e: {  	_ =	sfence.sel $0x180000  }
0x5f: {  	[bflag:$0x0] =	sbarrier.arrive $0xFFFF  }
0x60: {  	p0 =	sne.s32 s1, $0x0;
	_ =	strace $0x90000047  }
0x61: {  	s0 =	sadd.s32 @!p0 $0x100000, s0;
	[bflag:$0x2] =	sbarrier.arrive $0xFFFF  }
0x62: {  	[sflag:s0] =	ssyncadd.tile.s32 @!p0 $0x1;
	_ =	shalt  }
.Lfunc_end2:
_tile_overlayer_lowered:
.L_overlay_start_2:
0x63: {  	(tag) =	ssettag $0x2  }
0x64: {  	s0 =	rddreg [dreg:$0x0];
	s2 =	stileid.u32  }
0x65: {  	s1 =	rddreg [dreg:$0x1];
	p0 =	sne.s32 s2, $0x0  }
0x66: {  	s3 =	rddreg [dreg:$0x2];
	[bflag:$0x3] =	sbarrier.arrive $0xFFFF;
	s2 =	simm.s32 @!p0 $0x1C02  }
0x67: {  	[timem:s3], [sflag:s2] =	dma.local @!p0 [hbm:s0], s1  }
0x68: {  	s0 =	simm.s32 @!p0 $0x2  }
0x69: {  	_ =	swait.ge @!p0 [sflag:s0], s1  }
0x6a: {  	s1 =	ssub.s32 @!p0 $0x0, s1;
	[sflag:s0] =	ssyncset.done @!p0 $0x0  }
0x6b: {  	[sflag:s0] =	ssyncadd.s32 @!p0 s1  }
0x6c: {  	[bflag:$0x3] =	sbarrier.arrive $0xFFFF  }
0x6d: {  	_ =	shalt  }

</sc_bundles>
